<compile_context>
chip_gen: v7x
topology: tpu7x:2x2x1
jax: 0.10.2.dev20260603
libtpu: 0.0.44.dev20260713+nightly
codegen_flags: <defaults>
</compile_context>

<pallas_src>
import functools
import math

import jax
import jax.numpy as jnp
from jax import lax
from jax.experimental import pallas as pl
from jax.experimental.pallas import tpu as pltpu
from jax.experimental.pallas import tpu_sc as plsc

N_EMBD = 384
N_HEAD = 8
N_KV = 2
HEAD = N_EMBD // N_HEAD
R = 4
E = 4
CAP_F = 1.25
LORA_SCALE = 1.0 / R
HID = 4 * N_EMBD
NQ = N_HEAD * HEAD
NKV = N_KV * HEAD
QKV_W = NQ + 2 * NKV

SC_CORES = 2
SC_SUBCORES = 16
SC_WORKERS = SC_CORES * SC_SUBCORES


def _sc_mesh():
    return plsc.VectorSubcoreMesh(
        core_axis_name="c", subcore_axis_name="s",
        num_cores=SC_CORES, num_subcores=SC_SUBCORES)


def _dot_t(x, w):
    return lax.dot_general(x, w, (((1,), (1,)), ((), ())),
                           preferred_element_type=jnp.float32)


def _fold_body(w_ref, b_ref, a_ref, o_ref):
    eff = w_ref[0] + LORA_SCALE * jnp.dot(
        b_ref[0], a_ref[0], preferred_element_type=jnp.float32)
    o_ref[0] = eff.astype(o_ref.dtype)


def _fold(w, b, a, dtype=jnp.float32):
    g, m, n = w.shape
    r = b.shape[-1]
    return pl.pallas_call(
        _fold_body,
        grid=(g,),
        in_specs=[
            pl.BlockSpec((1, m, n), lambda i: (i, 0, 0)),
            pl.BlockSpec((1, m, r), lambda i: (i, 0, 0)),
            pl.BlockSpec((1, r, n), lambda i: (i, 0, 0)),
        ],
        out_specs=pl.BlockSpec((1, m, n), lambda i: (i, 0, 0)),
        out_shape=jax.ShapeDtypeStruct((g, m, n), dtype),
    )(w, b, a)


def _rope_body(c_ref, s_ref):
    t = c_ref.shape[0]
    pos = lax.broadcasted_iota(jnp.int32, (t, HEAD // 2), 0).astype(jnp.float32)
    j = lax.broadcasted_iota(jnp.int32, (t, HEAD // 2), 1).astype(jnp.float32)
    ang = pos * jnp.exp(j * (-2.0 * math.log(10000.0) / HEAD))
    c24 = jnp.cos(ang)
    s24 = jnp.sin(ang)
    jr = lax.broadcasted_iota(jnp.int32, (HEAD // 2, QKV_W), 0)
    lc = lax.broadcasted_iota(jnp.int32, (HEAD // 2, QKV_W), 1)
    rot = lc < (NQ + NKV)
    sel = (((lc % HEAD) // 2) == jr) & rot
    m = sel.astype(jnp.float32)
    sgn = jnp.where((lc % 2) == 0, -1.0, 1.0)
    vlane = jnp.where(rot, 0.0, 1.0)[0:1]
    qscale = jnp.where(lc < NQ, math.log2(math.e) / math.sqrt(HEAD),
                       1.0)[0:1]
    c_full = jnp.dot(c24, m, preferred_element_type=jnp.float32) + vlane
    s_full = jnp.dot(s24, m * sgn, preferred_element_type=jnp.float32)
    c_ref[...] = c_full * qscale
    s_ref[...] = s_full * qscale


def _rope_tables(t):
    return pl.pallas_call(
        _rope_body,
        out_shape=(jax.ShapeDtypeStruct((t, QKV_W), jnp.float32),
                   jax.ShapeDtypeStruct((t, QKV_W), jnp.float32)),
    )()


def _qkv_body(x_ref, g_ref, b_ref, w_ref, c_ref, s_ref, o_ref):
    x = x_ref[...]
    m = jnp.mean(x, axis=-1, keepdims=True)
    v = jnp.mean((x - m) ** 2, axis=-1, keepdims=True)
    xn = (x - m) / jnp.sqrt(v + 1e-5) * g_ref[...] + b_ref[...]
    qkv = lax.dot_general(
        xn.astype(jnp.bfloat16), w_ref[...].astype(jnp.bfloat16),
        (((1,), (1,)), ((), ())), preferred_element_type=jnp.float32)
    lane = lax.broadcasted_iota(jnp.int32, qkv.shape, 1)
    even = (lane % 2) == 0
    nl = qkv.shape[1]
    rot = jnp.where(even, pltpu.roll(qkv, nl - 1, 1), pltpu.roll(qkv, 1, 1))
    qkv = (qkv * c_ref[...] + rot * s_ref[...]).astype(jnp.bfloat16)
    for j in range(QKV_W // HEAD):
        o_ref[0, j] = qkv[:, j * HEAD:(j + 1) * HEAD]


def _qkv(x2d, g, b, w, c_tab, s_tab, bb, t, blk):
    bt = x2d.shape[0]
    tb = t // blk
    nh = QKV_W // HEAD
    return pl.pallas_call(
        _qkv_body,
        grid=(bt // blk,),
        in_specs=[
            pl.BlockSpec((blk, N_EMBD), lambda i: (i, 0)),
            pl.BlockSpec((1, N_EMBD), lambda i: (0, 0)),
            pl.BlockSpec((1, N_EMBD), lambda i: (0, 0)),
            pl.BlockSpec((QKV_W, N_EMBD), lambda i: (0, 0)),
            pl.BlockSpec((blk, QKV_W), lambda i: (i % tb, 0)),
            pl.BlockSpec((blk, QKV_W), lambda i: (i % tb, 0)),
        ],
        out_specs=pl.BlockSpec((1, nh, blk, HEAD),
                               lambda i: (i // tb, 0, i % tb, 0)),
        out_shape=jax.ShapeDtypeStruct((bb, nh, t, HEAD), jnp.bfloat16),
    )(x2d, g, b, w, c_tab, s_tab)


def _tri_qk(pid, nq):
    qi = jnp.zeros((), jnp.int32)
    for q in range(1, nq):
        qi = qi + (pid >= (q * (q + 1)) // 2).astype(jnp.int32)
    ki = pid - qi * (qi + 1) // 2
    return qi, ki


def _flash_body(q_ref, k_ref, v_ref, o_ref, m_ref, l_ref, acc_ref,
                *, blk, nq, rep):
    pid = pl.program_id(2)
    qi, ki = _tri_qk(pid, nq)

    @pl.when(ki == 0)
    def _():
        m_ref[...] = jnp.full_like(m_ref, -1e30)
        l_ref[...] = jnp.zeros_like(l_ref)
        acc_ref[...] = jnp.zeros_like(acc_ref)

    def update(s):
        m_prev = m_ref[:, 0:1]
        m_cur = jnp.max(s, axis=-1, keepdims=True)
        m_new = jnp.maximum(m_prev, m_cur)
        alpha = jnp.exp2(m_prev - m_new)
        p = jnp.exp2(s - m_new)
        l_ref[:, 0:1] = l_ref[:, 0:1] * alpha + jnp.sum(p, axis=-1,
                                                        keepdims=True)
        m_ref[:, 0:1] = m_new
        acc_ref[...] = acc_ref[...] * alpha + jnp.dot(
            p.astype(jnp.bfloat16), v_ref[0, 0],
            preferred_element_type=jnp.float32)

    def scores():
        q = q_ref[0].reshape(rep * blk, HEAD)
        return lax.dot_general(q, k_ref[0, 0], (((1,), (1,)), ((), ())),
                               preferred_element_type=jnp.float32)

    @pl.when(ki < qi)
    def _():
        update(scores())

    @pl.when(ki == qi)
    def _():
        s = scores()
        r = lax.broadcasted_iota(jnp.int32, s.shape, 0)
        c = lax.broadcasted_iota(jnp.int32, s.shape, 1)
        update(jnp.where(c <= (r % blk), s, -1e30))
        o_ref[0] = (acc_ref[...] / l_ref[:, 0:1]).astype(
            jnp.bfloat16).reshape(rep, blk, HEAD)


def _flash(qkvh, blk):
    bb, _, t, d = qkvh.shape
    nq = t // blk
    npair = nq * (nq + 1) // 2
    rep = N_HEAD // N_KV
    kcol = NQ // HEAD
    vcol = (NQ + NKV) // HEAD

    def qmap(b_, g_, p_):
        qi, _ = _tri_qk(p_, nq)
        return (b_, g_, qi, 0)

    def kmap(b_, g_, p_):
        _, ki = _tri_qk(p_, nq)
        return (b_, kcol + g_, ki, 0)

    def vmap_(b_, g_, p_):
        _, ki = _tri_qk(p_, nq)
        return (b_, vcol + g_, ki, 0)

    return pl.pallas_call(
        functools.partial(_flash_body, blk=blk, nq=nq, rep=rep),
        grid=(bb, N_KV, npair),
        in_specs=[
            pl.BlockSpec((1, rep, blk, d), qmap),
            pl.BlockSpec((1, 1, blk, d), kmap),
            pl.BlockSpec((1, 1, blk, d), vmap_),
        ],
        out_specs=pl.BlockSpec((1, rep, blk, d), qmap),
        out_shape=jax.ShapeDtypeStruct((bb, N_HEAD, t, d), jnp.bfloat16),
        scratch_shapes=[
            pltpu.VMEM((rep * blk, 128), jnp.float32),
            pltpu.VMEM((rep * blk, 128), jnp.float32),
            pltpu.VMEM((rep * blk, d), jnp.float32),
        ],
    )(qkvh, qkvh, qkvh)


def _oproj_router_body(a_ref, x_ref, w_ref, g_ref, b_ref, wr_ref, br_ref,
                       h_ref, xn_ref, dest_ref, gate_ref, aux_ref,
                       cnt_ref, psum_ref, lsum_ref, *, blk, nblk, cap, bt):
    i = pl.program_id(0)

    @pl.when(i == 0)
    def _():
        cnt_ref[...] = jnp.zeros_like(cnt_ref)
        psum_ref[...] = jnp.zeros_like(psum_ref)
        lsum_ref[...] = jnp.zeros_like(lsum_ref)

    a = jnp.concatenate([a_ref[0, j] for j in range(N_HEAD)], axis=1)
    h = lax.dot_general(a, w_ref[...].astype(jnp.bfloat16),
                        (((1,), (1,)), ((), ())),
                        preferred_element_type=jnp.float32) + x_ref[...]
    h_ref[...] = h
    m = jnp.mean(h, axis=-1, keepdims=True)
    v = jnp.mean((h - m) ** 2, axis=-1, keepdims=True)
    xn = (h - m) / jnp.sqrt(v + 1e-5) * g_ref[...] + b_ref[...]
    xn_ref[...] = xn
    logits = _dot_t(xn, wr_ref[...]) + br_ref[...]
    mx = jnp.max(logits, axis=-1, keepdims=True)
    ex = jnp.exp(logits - mx)
    probs = ex / jnp.sum(ex, axis=-1, keepdims=True)
    top_v = jnp.max(probs, axis=-1, keepdims=True)
    lane = lax.broadcasted_iota(jnp.int32, probs.shape, 1)
    idx = jnp.min(jnp.where(probs >= top_v, lane, E), axis=-1,
                  keepdims=True)
    onehot = (lane == idx).astype(jnp.float32)
    row = lax.broadcasted_iota(jnp.int32, (blk, blk), 0)
    col = lax.broadcasted_iota(jnp.int32, (blk, blk), 1)
    tri = (row >= col).astype(jnp.float32)
    csum = jnp.dot(tri, onehot, preferred_element_type=jnp.float32)
    pos = csum - 1.0 + cnt_ref[0:1, 0:E]
    disp = onehot * (pos < cap).astype(jnp.float32)
    disp_tok = jnp.sum(disp, axis=-1, keepdims=True)
    pos_tok = jnp.sum(disp * pos, axis=-1, keepdims=True)
    rowid = i * blk + lax.broadcasted_iota(jnp.int32, (blk, 1), 0)
    dest_hit = idx * cap + pos_tok.astype(jnp.int32)
    trash = E * cap + rowid // (bt // SC_WORKERS)
    dest_ref[...] = jnp.where(disp_tok > 0.0, dest_hit, trash)
    gate_ref[...] = top_v * disp_tok
    cnt_ref[0:1, 0:E] = cnt_ref[0:1, 0:E] + jnp.sum(onehot, axis=0,
                                                    keepdims=True)
    psum_ref[0:1, 0:E] = psum_ref[0:1, 0:E] + jnp.sum(probs, axis=0,
                                                      keepdims=True)
    lsum_ref[0:1, 0:E] = lsum_ref[0:1, 0:E] + jnp.sum(disp, axis=0,
                                                      keepdims=True)

    @pl.when(i == nblk - 1)
    def _():
        prod = psum_ref[0:1, 0:E] * lsum_ref[0:1, 0:E]
        aux_ref[...] = jnp.sum(prod, axis=-1, keepdims=True) \
            * (float(E) / (float(bt) * float(bt)))


def _oproj_router(attnh, x2d, wo, g, b, wr, br, cap, t, blk):
    bt = x2d.shape[0]
    tb = t // blk
    nblk = bt // blk
    body = functools.partial(_oproj_router_body, blk=blk, nblk=nblk,
                             cap=cap, bt=bt)
    return pl.pallas_call(
        body,
        grid=(nblk,),
        in_specs=[
            pl.BlockSpec((1, N_HEAD, blk, HEAD),
                         lambda i: (i // tb, 0, i % tb, 0)),
            pl.BlockSpec((blk, N_EMBD), lambda i: (i, 0)),
            pl.BlockSpec((N_EMBD, N_EMBD), lambda i: (0, 0)),
            pl.BlockSpec((1, N_EMBD), lambda i: (0, 0)),
            pl.BlockSpec((1, N_EMBD), lambda i: (0, 0)),
            pl.BlockSpec((E, N_EMBD), lambda i: (0, 0)),
            pl.BlockSpec((1, E), lambda i: (0, 0)),
        ],
        out_specs=(pl.BlockSpec((blk, N_EMBD), lambda i: (i, 0)),
                   pl.BlockSpec((blk, N_EMBD), lambda i: (i, 0)),
                   pl.BlockSpec((blk, 1), lambda i: (i, 0)),
                   pl.BlockSpec((blk, 1), lambda i: (i, 0)),
                   pl.BlockSpec((1, 1), lambda i: (0, 0))),
        out_shape=(jax.ShapeDtypeStruct((bt, N_EMBD), jnp.float32),
                   jax.ShapeDtypeStruct((bt, N_EMBD), jnp.float32),
                   jax.ShapeDtypeStruct((bt, 1), jnp.int32),
                   jax.ShapeDtypeStruct((bt, 1), jnp.float32),
                   jax.ShapeDtypeStruct((1, 1), jnp.float32)),
        scratch_shapes=[
            pltpu.VMEM((1, 128), jnp.float32),
            pltpu.VMEM((1, 128), jnp.float32),
            pltpu.VMEM((1, 128), jnp.float32),
        ],
    )(attnh, x2d, wo, g, b, wr, br)


def _sc_scatter(xn2, dest, nslot):
    bt, c = xn2.shape
    tpw = bt // SC_WORKERS

    @functools.partial(
        pl.kernel,
        out_type=jax.ShapeDtypeStruct((nslot, c), jnp.float32),
        mesh=_sc_mesh(),
        scratch_types=[
            pltpu.VMEM((tpw,), jnp.int32),
            pltpu.VMEM((tpw, c), jnp.float32),
            pltpu.SemaphoreType.DMA,
        ],
    )
    def k(xn_hbm, dest_hbm, buf_hbm, idx_v, rows_v, sem):
        wid = lax.axis_index("s") * SC_CORES + lax.axis_index("c")
        base = wid * tpw
        pltpu.sync_copy(dest_hbm.at[pl.ds(base, tpw)], idx_v)
        pltpu.sync_copy(xn_hbm.at[pl.ds(base, tpw)], rows_v)
        pltpu.async_copy(rows_v, buf_hbm.at[idx_v], sem).wait()

    return k(xn2, dest)


def _sc_gather(ybuf, dest, bt):
    c = ybuf.shape[1]
    tpw = bt // SC_WORKERS

    @functools.partial(
        pl.kernel,
        out_type=jax.ShapeDtypeStruct((bt, c), jnp.float32),
        mesh=_sc_mesh(),
        scratch_types=[
            pltpu.VMEM((tpw,), jnp.int32),
            pltpu.VMEM((tpw, c), jnp.float32),
            pltpu.SemaphoreType.DMA,
        ],
    )
    def k(ybuf_hbm, dest_hbm, out_hbm, idx_v, y_v, sem):
        wid = lax.axis_index("s") * SC_CORES + lax.axis_index("c")
        base = wid * tpw
        pltpu.sync_copy(dest_hbm.at[pl.ds(base, tpw)], idx_v)
        pltpu.async_copy(ybuf_hbm.at[idx_v], y_v, sem).wait()
        pltpu.sync_copy(y_v, out_hbm.at[pl.ds(base, tpw)])

    return k(ybuf, dest)


def _mlp_body(x_ref, w1_ref, w2_ref, y_ref):
    x = x_ref[...].astype(jnp.bfloat16)
    h = lax.dot_general(x, w1_ref[0], (((1,), (1,)), ((), ())),
                        preferred_element_type=jnp.float32)
    h = jnp.maximum(h, 0.0).astype(jnp.bfloat16)
    y_ref[...] = lax.dot_general(h, w2_ref[0], (((1,), (1,)), ((), ())),
                                 preferred_element_type=jnp.float32)


def _mlp(buf, w1, w2, cap, nslot, blk):
    nblk = cap // blk
    return pl.pallas_call(
        _mlp_body,
        grid=(E, nblk),
        in_specs=[
            pl.BlockSpec((blk, N_EMBD), lambda e, i: (e * nblk + i, 0)),
            pl.BlockSpec((1, HID, N_EMBD), lambda e, i: (e, 0, 0)),
            pl.BlockSpec((1, N_EMBD, HID), lambda e, i: (e, 0, 0)),
        ],
        out_specs=pl.BlockSpec((blk, N_EMBD), lambda e, i: (e * nblk + i, 0)),
        out_shape=jax.ShapeDtypeStruct((nslot, N_EMBD), jnp.float32),
    )(buf, w1, w2)


def _epi_body(h_ref, g_ref, y_ref, o_ref):
    g = g_ref[...]
    o_ref[...] = h_ref[...] + jnp.where(g > 0.0, g * y_ref[...], 0.0)


def _epilogue(h2d, gate, ygath, blk):
    bt = h2d.shape[0]
    return pl.pallas_call(
        _epi_body,
        grid=(bt // blk,),
        in_specs=[
            pl.BlockSpec((blk, N_EMBD), lambda i: (i, 0)),
            pl.BlockSpec((blk, 1), lambda i: (i, 0)),
            pl.BlockSpec((blk, N_EMBD), lambda i: (i, 0)),
        ],
        out_specs=pl.BlockSpec((blk, N_EMBD), lambda i: (i, 0)),
        out_shape=jax.ShapeDtypeStruct((bt, N_EMBD), jnp.float32),
    )(h2d, gate, ygath)


def kernel(x, adapter_id, params):
    p = params
    b, t, c = x.shape
    bt = b * t
    cap = int(math.ceil(CAP_F * bt / E))
    nslot = E * cap + SC_WORKERS
    aid = jnp.asarray(adapter_id).astype(jnp.int32)

    w_all = jnp.concatenate([p['Wq'], p['Wk'], p['Wv'], p['Wo']], axis=0)
    a_all = jnp.concatenate(
        [p['Aq'][aid], p['Ak'][aid], p['Av'][aid], p['Ao'][aid]], axis=0)
    b_bd = jnp.zeros((2 * NQ + 2 * NKV, 4 * R), jnp.float32)
    b_bd = b_bd.at[0:NQ, 0:R].set(p['Bq'][aid])
    b_bd = b_bd.at[NQ:NQ + NKV, R:2 * R].set(p['Bk'][aid])
    b_bd = b_bd.at[NQ + NKV:NQ + 2 * NKV, 2 * R:3 * R].set(p['Bv'][aid])
    b_bd = b_bd.at[NQ + 2 * NKV:, 3 * R:].set(p['Bo'][aid])
    qkvo = _fold(w_all[None], b_bd[None], a_all[None])[0]
    wqkv = qkvo[:QKV_W]
    wo = qkvo[QKV_W:]

    w1 = _fold(p['W1'], p['B1'][:, aid], p['A1'][:, aid],
               dtype=jnp.bfloat16)
    w2 = _fold(p['W2'], p['B2'][:, aid], p['A2'][:, aid],
               dtype=jnp.bfloat16)

    c_tab, s_tab = _rope_tables(t)
    x2d = x.reshape(bt, c)
    qkvh = _qkv(x2d, p['ln1_g'][None], p['ln1_b'][None], wqkv,
                c_tab, s_tab, b, t, blk=512)
    attnh = _flash(qkvh, blk=512)
    h2d, xn2, dest, gate, aux = _oproj_router(
        attnh, x2d, wo, p['ln2_g'][None], p['ln2_b'][None],
        p['Wr'], p['br'][None], cap, t, blk=512)

    buf = _sc_scatter(xn2, dest.reshape(bt), nslot)
    ybuf = _mlp(buf, w1, w2, cap, nslot, blk=1280)
    ygath = _sc_gather(ybuf, dest.reshape(bt), bt)
    out2d = _epilogue(h2d, gate, ygath, blk=512)
    return out2d.reshape(b, t, c), aux.reshape(())

# --- scband reference (transcript-rebuilt; emitter-appended) ---
"""Pipeline reference for scband-block-lo-ra-30906584662342 (READ-ONLY COPY).

The authoritative reference and input builder live on the scoring server;
editing this copy changes nothing except your own understanding.
"""

import jax, jax.numpy as jnp
import numpy as np
import math

N_EMBD = 384
N_HEAD = 8
N_KV = 2
HEAD = N_EMBD // N_HEAD
R = 4
LOOPS = 4
E = 4
CAP_F = 1.25
LORA_SCALE = 1.0 / R


def _lora(x, W, A, B):
    return x @ W.T + ((x @ A.T) @ B.T) * LORA_SCALE


def _ln(x, g, b):
    m = x.mean(-1, keepdims=True)
    v = ((x - m) ** 2).mean(-1, keepdims=True)
    return (x - m) / jnp.sqrt(v + 1e-5) * g + b


def _rope_cache(T):
    inv_freq = 1.0 / (10000.0 ** (jnp.arange(0, HEAD, 2, dtype=jnp.float32) / HEAD))
    pos = jnp.arange(T, dtype=jnp.float32)
    ang = pos[:, None] * inv_freq[None, :]
    return jnp.cos(ang), jnp.sin(ang)


def _apply_rope(x, cos, sin):
    xe = x[..., 0::2]
    xo = x[..., 1::2]
    re = xe * cos - xo * sin
    ro = xe * sin + xo * cos
    return jnp.stack([re, ro], axis=-1).reshape(x.shape)


def _attn(x, p, aid):
    B, T, _ = x.shape
    q = _lora(x, p['Wq'], p['Aq'][aid], p['Bq'][aid]).reshape(B, T, N_HEAD, HEAD).transpose(0, 2, 1, 3)
    k = _lora(x, p['Wk'], p['Ak'][aid], p['Bk'][aid]).reshape(B, T, N_KV, HEAD).transpose(0, 2, 1, 3)
    v = _lora(x, p['Wv'], p['Av'][aid], p['Bv'][aid]).reshape(B, T, N_KV, HEAD).transpose(0, 2, 1, 3)
    cos, sin = _rope_cache(T)
    cos = cos[None, None]
    sin = sin[None, None]
    q = _apply_rope(q, cos, sin)
    k = _apply_rope(k, cos, sin)
    rep = N_HEAD // N_KV
    k = jnp.repeat(k, rep, axis=1)
    v = jnp.repeat(v, rep, axis=1)
    scores = jnp.einsum('bhqd,bhkd->bhqk', q, k) / math.sqrt(HEAD)
    mask = jnp.tril(jnp.ones((T, T), dtype=bool))
    scores = jnp.where(mask[None, None], scores, jnp.float32(-1e30))
    attn = jax.nn.softmax(scores, axis=-1)
    out = jnp.einsum('bhqk,bhkd->bhqd', attn, v)
    out = out.transpose(0, 2, 1, 3).reshape(B, T, N_EMBD)
    return _lora(out, p['Wo'], p['Ao'][aid], p['Bo'][aid])


def _moe(x, p, aid):
    B, T, C = x.shape
    xf = x.reshape(B * T, C)
    logits = xf @ p['Wr'].T + p['br']
    probs = jax.nn.softmax(logits, axis=-1)
    top1_val = probs.max(axis=-1)
    top1_idx = jnp.argmax(probs, axis=-1)
    mask = jax.nn.one_hot(top1_idx, E, dtype=jnp.float32)
    capacity = int(math.ceil(CAP_F * (B * T) / E))
    positions = jnp.cumsum(mask, axis=0) - 1
    dispatch = (positions < capacity).astype(jnp.float32) * mask
    importance = probs.mean(axis=0)
    load = dispatch.mean(axis=0)
    aux = (importance * load).sum() * E
    outf = jnp.zeros_like(xf)
    for e in range(E):
        h = _lora(xf, p['W1'][e], p['A1'][e][aid], p['B1'][e][aid])
        h = jax.nn.relu(h)
        h = _lora(h, p['W2'][e], p['A2'][e][aid], p['B2'][e][aid])
        gate = (dispatch[:, e] * top1_val)[:, None]
        outf = outf + h * gate
    return outf.reshape(B, T, C), aux


def _block(x, p, aid):
    h = x + _attn(_ln(x, p['ln1_g'], p['ln1_b']), p, aid)
    ff, aux = _moe(_ln(h, p['ln2_g'], p['ln2_b']), p, aid)
    return h + ff, aux


def setup_inputs(seed: int = 0):
    key = jax.random.key(seed)
    ks = jax.random.split(key, 24)
    Bb, T = 2, 2048
    x = jax.random.normal(ks[0], (Bb, T, N_EMBD), dtype=jnp.float32)

    def w(k, shape, s=0.02):
        return jax.random.normal(k, shape, dtype=jnp.float32) * s

    params = {
        'ln1_g': jnp.ones((N_EMBD,), jnp.float32), 'ln1_b': jnp.zeros((N_EMBD,), jnp.float32),
        'ln2_g': jnp.ones((N_EMBD,), jnp.float32), 'ln2_b': jnp.zeros((N_EMBD,), jnp.float32),
        'Wq': w(ks[1], (N_HEAD * HEAD, N_EMBD)), 'Aq': w(ks[2], (LOOPS, R, N_EMBD), 0.1), 'Bq': w(ks[3], (LOOPS, N_HEAD * HEAD, R), 0.1),
        'Wk': w(ks[4], (N_KV * HEAD, N_EMBD)), 'Ak': w(ks[5], (LOOPS, R, N_EMBD), 0.1), 'Bk': w(ks[6], (LOOPS, N_KV * HEAD, R), 0.1),
        'Wv': w(ks[7], (N_KV * HEAD, N_EMBD)), 'Av': w(ks[8], (LOOPS, R, N_EMBD), 0.1), 'Bv': w(ks[9], (LOOPS, N_KV * HEAD, R), 0.1),
        'Wo': w(ks[10], (N_EMBD, N_EMBD)), 'Ao': w(ks[11], (LOOPS, R, N_EMBD), 0.1), 'Bo': w(ks[12], (LOOPS, N_EMBD, R), 0.1),
        'Wr': w(ks[13], (E, N_EMBD)), 'br': jnp.zeros((E,), jnp.float32),
        'W1': w(ks[14], (E, 4 * N_EMBD, N_EMBD)), 'A1': w(ks[15], (E, LOOPS, R, N_EMBD), 0.1), 'B1': w(ks[16], (E, LOOPS, 4 * N_EMBD, R), 0.1),
        'W2': w(ks[17], (E, N_EMBD, 4 * N_EMBD)), 'A2': w(ks[18], (E, LOOPS, R, 4 * N_EMBD), 0.1), 'B2': w(ks[19], (E, LOOPS, N_EMBD, R), 0.1),
    }
    return {'x': x, 'adapter_id': 2, 'params': params}


def reference(x, adapter_id, params):
    aid = jnp.asarray(adapter_id).astype(jnp.int32)
    return _block(x, params, aid)

if __name__ == "__main__":
    import jax
    _d = setup_inputs()
    print(jax.jit(kernel)(*tuple(_d.values())))

</pallas_src>

<mosaic_0001>
#map = affine_map<(d0, d1) -> (0, 0)>
#map1 = affine_map<(d0, d1) -> (0)>
module attributes {stable_mosaic.version = 14 : i64} {
  func.func @k(%arg0: i32, %arg1: i32, %arg2: memref<4096x384xf32, #tpu.memory_space<hbm>>, %arg3: memref<4096xi32, #tpu.memory_space<hbm>>, %arg4: memref<5152x384xf32, #tpu.memory_space<hbm>>, %arg5: memref<128xi32, #tpu.memory_space<vmem>>, %arg6: memref<128x384xf32, #tpu.memory_space<vmem>>, %arg7: memref<!tpu.dma_semaphore, #tpu.memory_space<semaphore_mem>>) attributes {dimension_semantics = [#tpu.dimension_semantics<core_parallel>, #tpu.dimension_semantics<subcore_parallel>], iteration_bounds = array<i64: 2, 16>, scalar_prefetch = 0 : i64, scratch_operands = 3 : i64, tpu.core_type = #tpu.core_type<sc_vector_subcore>, window_params = [{transform_indices = #map}, {transform_indices = #map1}, {transform_indices = #map}]} {
    %mul3A = arith.constant 2 : i32
    %mul3A_0 = arith.muli %arg1, %mul3A : i32
    %add3A = arith.addi %mul3A_0, %arg0 : i32
    %mul3A_1 = arith.constant 128 : i32
    %mul3A_2 = arith.muli %add3A, %mul3A_1 : i32
    "tpu.region"() ({
      %run_scoped3A = tpu.sem_alloc : memref<!tpu.dma_semaphore, #tpu.memory_space<semaphore_mem>>
      %dma_start3A_7 = tpu.memref_slice %arg3[%mul3A_2] : memref<4096xi32, #tpu.memory_space<hbm>> -> memref<128xi32, #tpu.memory_space<hbm>>
      %dma_start3A_8 = tpu.memref_slice %arg3[%mul3A_2] : memref<4096xi32, #tpu.memory_space<hbm>> -> memref<128xi32, #tpu.memory_space<hbm>>
      tpu.enqueue_dma source(%dma_start3A_8 : memref<128xi32, #tpu.memory_space<hbm>>) target(%arg5 : memref<128xi32, #tpu.memory_space<vmem>>) target_semaphore(%run_scoped3A : memref<!tpu.dma_semaphore, #tpu.memory_space<semaphore_mem>>)
      %dma_wait3A_9 = tpu.memref_slice %arg3[%mul3A_2] : memref<4096xi32, #tpu.memory_space<hbm>> -> memref<128xi32, #tpu.memory_space<hbm>>
      %dma_wait3A_10 = tpu.memref_slice %arg3[%mul3A_2] : memref<4096xi32, #tpu.memory_space<hbm>> -> memref<128xi32, #tpu.memory_space<hbm>>
      tpu.wait_dma2 semaphore(%run_scoped3A : memref<!tpu.dma_semaphore, #tpu.memory_space<semaphore_mem>>) src(%dma_wait3A_10 : memref<128xi32, #tpu.memory_space<hbm>>) dst(%arg5 : memref<128xi32, #tpu.memory_space<vmem>>)
      tpu.yield
    }) : () -> ()
    "tpu.region"() ({
      %run_scoped3A = tpu.sem_alloc : memref<!tpu.dma_semaphore, #tpu.memory_space<semaphore_mem>>
      %dma_start3A_7 = arith.constant 0 : i32
      %dma_start3A_8 = tpu.memref_slice %arg2[%mul3A_2, %dma_start3A_7] : memref<4096x384xf32, #tpu.memory_space<hbm>> -> memref<128x384xf32, #tpu.memory_space<hbm>>
      %dma_start3A_9 = arith.constant 0 : i32
      %dma_start3A_10 = tpu.memref_slice %arg2[%mul3A_2, %dma_start3A_9] : memref<4096x384xf32, #tpu.memory_space<hbm>> -> memref<128x384xf32, #tpu.memory_space<hbm>>
      tpu.enqueue_dma source(%dma_start3A_10 : memref<128x384xf32, #tpu.memory_space<hbm>>) target(%arg6 : memref<128x384xf32, #tpu.memory_space<vmem>>) target_semaphore(%run_scoped3A : memref<!tpu.dma_semaphore, #tpu.memory_space<semaphore_mem>>)
      %dma_wait3A_11 = arith.constant 0 : i32
      %dma_wait3A_12 = tpu.memref_slice %arg2[%mul3A_2, %dma_wait3A_11] : memref<4096x384xf32, #tpu.memory_space<hbm>> -> memref<128x384xf32, #tpu.memory_space<hbm>>
      %dma_wait3A_13 = arith.constant 0 : i32
      %dma_wait3A_14 = tpu.memref_slice %arg2[%mul3A_2, %dma_wait3A_13] : memref<4096x384xf32, #tpu.memory_space<hbm>> -> memref<128x384xf32, #tpu.memory_space<hbm>>
      tpu.wait_dma2 semaphore(%run_scoped3A : memref<!tpu.dma_semaphore, #tpu.memory_space<semaphore_mem>>) src(%dma_wait3A_14 : memref<128x384xf32, #tpu.memory_space<hbm>>) dst(%arg6 : memref<128x384xf32, #tpu.memory_space<vmem>>)
      tpu.yield
    }) : () -> ()
    %dma_start3A = arith.constant 0 : i32
    %dma_start3A_3 = arith.constant 0 : i32
    %dma_start3A_4 = tpu.memref_slice %arg4[%dma_start3A, %dma_start3A_3] : memref<5152x384xf32, #tpu.memory_space<hbm>> -> memref<5152x384xf32, #tpu.memory_space<hbm>>
    tpu.enqueue_indirect_dma source(%arg6 : memref<128x384xf32, #tpu.memory_space<vmem>>) target(%dma_start3A_4 : memref<5152x384xf32, #tpu.memory_space<hbm>>) offsets(%arg5 : memref<128xi32, #tpu.memory_space<vmem>>) semaphore(%arg7 : memref<!tpu.dma_semaphore, #tpu.memory_space<semaphore_mem>>)
    %dma_wait3A = arith.constant 0 : i32
    %dma_wait3A_5 = arith.constant 0 : i32
    %dma_wait3A_6 = tpu.memref_slice %arg4[%dma_wait3A, %dma_wait3A_5] : memref<5152x384xf32, #tpu.memory_space<hbm>> -> memref<5152x384xf32, #tpu.memory_space<hbm>>
    tpu.wait_indirect_dma semaphore(%arg7 : memref<!tpu.dma_semaphore, #tpu.memory_space<semaphore_mem>>) src(%arg6 : memref<128x384xf32, #tpu.memory_space<vmem>>) dst(%dma_wait3A_6 : memref<5152x384xf32, #tpu.memory_space<hbm>>)
    return
  }
}

#map = affine_map<(d0, d1) -> (0, 0)>
#map1 = affine_map<(d0, d1) -> (0)>
module attributes {stable_mosaic.version = 14 : i64} {
  func.func @k(%arg0: i32, %arg1: i32, %arg2: memref<5152x384xf32, #tpu.memory_space<hbm>>, %arg3: memref<4096xi32, #tpu.memory_space<hbm>>, %arg4: memref<4096x384xf32, #tpu.memory_space<hbm>>, %arg5: memref<128xi32, #tpu.memory_space<vmem>>, %arg6: memref<128x384xf32, #tpu.memory_space<vmem>>, %arg7: memref<!tpu.dma_semaphore, #tpu.memory_space<semaphore_mem>>) attributes {dimension_semantics = [#tpu.dimension_semantics<core_parallel>, #tpu.dimension_semantics<subcore_parallel>], iteration_bounds = array<i64: 2, 16>, scalar_prefetch = 0 : i64, scratch_operands = 3 : i64, tpu.core_type = #tpu.core_type<sc_vector_subcore>, window_params = [{transform_indices = #map}, {transform_indices = #map1}, {transform_indices = #map}]} {
    %mul3A = arith.constant 2 : i32
    %mul3A_0 = arith.muli %arg1, %mul3A : i32
    %add3A = arith.addi %mul3A_0, %arg0 : i32
    %mul3A_1 = arith.constant 128 : i32
    %mul3A_2 = arith.muli %add3A, %mul3A_1 : i32
    "tpu.region"() ({
      %run_scoped3A = tpu.sem_alloc : memref<!tpu.dma_semaphore, #tpu.memory_space<semaphore_mem>>
      %dma_start3A_7 = tpu.memref_slice %arg3[%mul3A_2] : memref<4096xi32, #tpu.memory_space<hbm>> -> memref<128xi32, #tpu.memory_space<hbm>>
      %dma_start3A_8 = tpu.memref_slice %arg3[%mul3A_2] : memref<4096xi32, #tpu.memory_space<hbm>> -> memref<128xi32, #tpu.memory_space<hbm>>
      tpu.enqueue_dma source(%dma_start3A_8 : memref<128xi32, #tpu.memory_space<hbm>>) target(%arg5 : memref<128xi32, #tpu.memory_space<vmem>>) target_semaphore(%run_scoped3A : memref<!tpu.dma_semaphore, #tpu.memory_space<semaphore_mem>>)
      %dma_wait3A_9 = tpu.memref_slice %arg3[%mul3A_2] : memref<4096xi32, #tpu.memory_space<hbm>> -> memref<128xi32, #tpu.memory_space<hbm>>
      %dma_wait3A_10 = tpu.memref_slice %arg3[%mul3A_2] : memref<4096xi32, #tpu.memory_space<hbm>> -> memref<128xi32, #tpu.memory_space<hbm>>
      tpu.wait_dma2 semaphore(%run_scoped3A : memref<!tpu.dma_semaphore, #tpu.memory_space<semaphore_mem>>) src(%dma_wait3A_10 : memref<128xi32, #tpu.memory_space<hbm>>) dst(%arg5 : memref<128xi32, #tpu.memory_space<vmem>>)
      tpu.yield
    }) : () -> ()
    %dma_start3A = arith.constant 0 : i32
    %dma_start3A_3 = arith.constant 0 : i32
    %dma_start3A_4 = tpu.memref_slice %arg2[%dma_start3A, %dma_start3A_3] : memref<5152x384xf32, #tpu.memory_space<hbm>> -> memref<5152x384xf32, #tpu.memory_space<hbm>>
    tpu.enqueue_indirect_dma source(%dma_start3A_4 : memref<5152x384xf32, #tpu.memory_space<hbm>>) target(%arg6 : memref<128x384xf32, #tpu.memory_space<vmem>>) offsets(%arg5 : memref<128xi32, #tpu.memory_space<vmem>>) semaphore(%arg7 : memref<!tpu.dma_semaphore, #tpu.memory_space<semaphore_mem>>)
    %dma_wait3A = arith.constant 0 : i32
    %dma_wait3A_5 = arith.constant 0 : i32
    %dma_wait3A_6 = tpu.memref_slice %arg2[%dma_wait3A, %dma_wait3A_5] : memref<5152x384xf32, #tpu.memory_space<hbm>> -> memref<5152x384xf32, #tpu.memory_space<hbm>>
    tpu.wait_indirect_dma semaphore(%arg7 : memref<!tpu.dma_semaphore, #tpu.memory_space<semaphore_mem>>) src(%dma_wait3A_6 : memref<5152x384xf32, #tpu.memory_space<hbm>>) dst(%arg6 : memref<128x384xf32, #tpu.memory_space<vmem>>)
    "tpu.region"() ({
      %run_scoped3A = tpu.sem_alloc : memref<!tpu.dma_semaphore, #tpu.memory_space<semaphore_mem>>
      %dma_start3A_7 = arith.constant 0 : i32
      %dma_start3A_8 = tpu.memref_slice %arg4[%mul3A_2, %dma_start3A_7] : memref<4096x384xf32, #tpu.memory_space<hbm>> -> memref<128x384xf32, #tpu.memory_space<hbm>>
      %dma_start3A_9 = arith.constant 0 : i32
      %dma_start3A_10 = tpu.memref_slice %arg4[%mul3A_2, %dma_start3A_9] : memref<4096x384xf32, #tpu.memory_space<hbm>> -> memref<128x384xf32, #tpu.memory_space<hbm>>
      tpu.enqueue_dma source(%arg6 : memref<128x384xf32, #tpu.memory_space<vmem>>) target(%dma_start3A_10 : memref<128x384xf32, #tpu.memory_space<hbm>>) target_semaphore(%run_scoped3A : memref<!tpu.dma_semaphore, #tpu.memory_space<semaphore_mem>>)
      %dma_wait3A_11 = arith.constant 0 : i32
      %dma_wait3A_12 = tpu.memref_slice %arg4[%mul3A_2, %dma_wait3A_11] : memref<4096x384xf32, #tpu.memory_space<hbm>> -> memref<128x384xf32, #tpu.memory_space<hbm>>
      %dma_wait3A_13 = arith.constant 0 : i32
      %dma_wait3A_14 = tpu.memref_slice %arg4[%mul3A_2, %dma_wait3A_13] : memref<4096x384xf32, #tpu.memory_space<hbm>> -> memref<128x384xf32, #tpu.memory_space<hbm>>
      tpu.wait_dma2 semaphore(%run_scoped3A : memref<!tpu.dma_semaphore, #tpu.memory_space<semaphore_mem>>) src(%arg6 : memref<128x384xf32, #tpu.memory_space<vmem>>) dst(%dma_wait3A_14 : memref<128x384xf32, #tpu.memory_space<hbm>>)
      tpu.yield
    }) : () -> ()
    return
  }
}

module attributes {stable_mosaic.version = 14 : i64} {
  func.func @_rope_body(%arg0: memref<2048x576xf32, #tpu.memory_space<vmem>>, %arg1: memref<2048x576xf32, #tpu.memory_space<vmem>>) attributes {dimension_semantics = [], scalar_prefetch = 0 : i64, scratch_operands = 0 : i64, tpu.core_type = #tpu.core_type<tc>} {
    %iota3A = tpu.iota {dimensions = array<i32: 0>} : vector<2048x24xi32>
    %convert_element_type3A = arith.sitofp %iota3A : vector<2048x24xi32> to vector<2048x24xf32>
    %iota3A_0 = tpu.iota {dimensions = array<i32: 1>} : vector<2048x24xi32>
    %convert_element_type3A_1 = arith.sitofp %iota3A_0 : vector<2048x24xi32> to vector<2048x24xf32>
    %mul3A = arith.constant -0.383764178 : f32
    %mul3A_2 = vector.broadcast %mul3A : f32 to vector<2048x24xf32>
    %mul3A_3 = arith.mulf %convert_element_type3A_1, %mul3A_2 : vector<2048x24xf32>
    %exp3A = math.exp %mul3A_3 : vector<2048x24xf32>
    %mul3A_4 = arith.mulf %convert_element_type3A, %exp3A : vector<2048x24xf32>
    %cos3A = math.cos %mul3A_4 : vector<2048x24xf32>
    %sin3A = math.sin %mul3A_4 : vector<2048x24xf32>
    %iota3A_5 = tpu.iota {dimensions = array<i32: 0>} : vector<24x576xi32>
    %iota3A_6 = tpu.iota {dimensions = array<i32: 1>} : vector<24x576xi32>
    %lt3A = arith.constant 480 : i32
    %lt3A_7 = vector.broadcast %lt3A : i32 to vector<24x576xi32>
    %lt3A_8 = arith.cmpi slt, %iota3A_6, %lt3A_7 : vector<24x576xi32>
    %jit3A = arith.constant 48 : i32
    %eq3A = arith.constant 0 : i32
    %eq3A_9 = arith.cmpi eq, %jit3A, %eq3A : i32
    %jit3A_10 = arith.constant 1 : i32
    %select_n3A = arith.select %eq3A_9, %jit3A_10, %jit3A : i32
    %rem3A = vector.broadcast %select_n3A : i32 to vector<24x576xi32>
    %rem3A_11 = arith.remsi %iota3A_6, %rem3A : vector<24x576xi32>
    %ne3A = arith.constant 0 : i32
    %ne3A_12 = vector.broadcast %ne3A : i32 to vector<24x576xi32>
    %ne3A_13 = arith.cmpi ne, %rem3A_11, %ne3A_12 : vector<24x576xi32>
    %lt3A_14 = arith.constant 0 : i32
    %lt3A_15 = vector.broadcast %lt3A_14 : i32 to vector<24x576xi32>
    %lt3A_16 = arith.cmpi slt, %rem3A_11, %lt3A_15 : vector<24x576xi32>
    %lt3A_17 = arith.constant 0 : i32
    %lt3A_18 = arith.cmpi slt, %select_n3A, %lt3A_17 : i32
    %ne3A_19 = vector.broadcast %lt3A_18 : i1 to vector<24x576xi1>
    %ne3A_20 = vector.broadcast %ne3A_19 : vector<24x576xi1> to vector<24x576xi1>
    %ne3A_21 = arith.xori %lt3A_16, %ne3A_20 : vector<24x576xi1>
    %and3A = arith.andi %ne3A_21, %ne3A_13 : vector<24x576xi1>
    %add3A = vector.broadcast %select_n3A : i32 to vector<24x576xi32>
    %add3A_22 = arith.addi %rem3A_11, %add3A : vector<24x576xi32>
    %select_n3A_23 = arith.select %and3A, %add3A_22, %rem3A_11 : vector<24x576xi1>, vector<24x576xi32>
    %jit3A_24 = arith.constant 2 : i32
    %div3A = vector.broadcast %jit3A_24 : i32 to vector<24x576xi32>
    %div3A_25 = arith.divsi %select_n3A_23, %div3A : vector<24x576xi32>
    %sign3A = arith.constant 0 : i32
    %sign3A_26 = vector.broadcast %sign3A : i32 to vector<24x576xi32>
    %sign3A_27 = arith.cmpi sgt, %select_n3A_23, %sign3A_26 : vector<24x576xi32>
    %sign3A_28 = arith.extui %sign3A_27 : vector<24x576xi1> to vector<24x576xi32>
    %sign3A_29 = arith.constant 0 : i32
    %sign3A_30 = vector.broadcast %sign3A_29 : i32 to vector<24x576xi32>
    %sign3A_31 = arith.cmpi slt, %select_n3A_23, %sign3A_30 : vector<24x576xi32>
    %sign3A_32 = arith.extui %sign3A_31 : vector<24x576xi1> to vector<24x576xi32>
    %sign3A_33 = arith.subi %sign3A_28, %sign3A_32 : vector<24x576xi32>
    %sign3A_34 = arith.constant 0 : i32
    %sign3A_35 = arith.cmpi sgt, %jit3A_24, %sign3A_34 : i32
    %sign3A_36 = arith.extui %sign3A_35 : i1 to i32
    %sign3A_37 = arith.constant 0 : i32
    %sign3A_38 = arith.cmpi slt, %jit3A_24, %sign3A_37 : i32
    %sign3A_39 = arith.extui %sign3A_38 : i1 to i32
    %sign3A_40 = arith.subi %sign3A_36, %sign3A_39 : i32
    %ne3A_41 = vector.broadcast %sign3A_40 : i32 to vector<24x576xi32>
    %ne3A_42 = arith.cmpi ne, %sign3A_33, %ne3A_41 : vector<24x576xi32>
    %rem3A_43 = vector.broadcast %jit3A_24 : i32 to vector<24x576xi32>
    %rem3A_44 = arith.remsi %select_n3A_23, %rem3A_43 : vector<24x576xi32>
    %ne3A_45 = arith.constant 0 : i32
    %ne3A_46 = vector.broadcast %ne3A_45 : i32 to vector<24x576xi32>
    %ne3A_47 = arith.cmpi ne, %rem3A_44, %ne3A_46 : vector<24x576xi32>
    %and3A_48 = arith.andi %ne3A_42, %ne3A_47 : vector<24x576xi1>
    %sub3A = arith.constant 1 : i32
    %sub3A_49 = vector.broadcast %sub3A : i32 to vector<24x576xi32>
    %sub3A_50 = arith.subi %div3A_25, %sub3A_49 : vector<24x576xi32>
    %select_n3A_51 = arith.select %and3A_48, %sub3A_50, %div3A_25 : vector<24x576xi1>, vector<24x576xi32>
    %eq3A_52 = arith.cmpi eq, %select_n3A_51, %iota3A_5 : vector<24x576xi32>
    %and3A_53 = arith.andi %eq3A_52, %lt3A_8 : vector<24x576xi1>
    %convert_element_type3A_54 = arith.extui %and3A_53 : vector<24x576xi1> to vector<24x576xi32>
    %convert_element_type3A_55 = arith.sitofp %convert_element_type3A_54 : vector<24x576xi32> to vector<24x576xf32>
    %jit3A_56 = arith.constant 2 : i32
    %eq3A_57 = arith.constant 0 : i32
    %eq3A_58 = arith.cmpi eq, %jit3A_56, %eq3A_57 : i32
    %jit3A_59 = arith.constant 1 : i32
    %select_n3A_60 = arith.select %eq3A_58, %jit3A_59, %jit3A_56 : i32
    %rem3A_61 = vector.broadcast %select_n3A_60 : i32 to vector<24x576xi32>
    %rem3A_62 = arith.remsi %iota3A_6, %rem3A_61 : vector<24x576xi32>
    %ne3A_63 = arith.constant 0 : i32
    %ne3A_64 = vector.broadcast %ne3A_63 : i32 to vector<24x576xi32>
    %ne3A_65 = arith.cmpi ne, %rem3A_62, %ne3A_64 : vector<24x576xi32>
    %lt3A_66 = arith.constant 0 : i32
    %lt3A_67 = vector.broadcast %lt3A_66 : i32 to vector<24x576xi32>
    %lt3A_68 = arith.cmpi slt, %rem3A_62, %lt3A_67 : vector<24x576xi32>
    %lt3A_69 = arith.constant 0 : i32
    %lt3A_70 = arith.cmpi slt, %select_n3A_60, %lt3A_69 : i32
    %ne3A_71 = vector.broadcast %lt3A_70 : i1 to vector<24x576xi1>
    %ne3A_72 = vector.broadcast %ne3A_71 : vector<24x576xi1> to vector<24x576xi1>
    %ne3A_73 = arith.xori %lt3A_68, %ne3A_72 : vector<24x576xi1>
    %and3A_74 = arith.andi %ne3A_73, %ne3A_65 : vector<24x576xi1>
    %add3A_75 = vector.broadcast %select_n3A_60 : i32 to vector<24x576xi32>
    %add3A_76 = arith.addi %rem3A_62, %add3A_75 : vector<24x576xi32>
    %select_n3A_77 = arith.select %and3A_74, %add3A_76, %rem3A_62 : vector<24x576xi1>, vector<24x576xi32>
    %eq3A_78 = arith.constant 0 : i32
    %eq3A_79 = vector.broadcast %eq3A_78 : i32 to vector<24x576xi32>
    %eq3A_80 = arith.cmpi eq, %select_n3A_77, %eq3A_79 : vector<24x576xi32>
    %jit3A_81 = arith.constant -1.000000e+00 : f32
    %jit3A_82 = arith.constant 1.000000e+00 : f32
    %broadcast_in_dim3A = vector.broadcast %jit3A_81 : f32 to vector<24x576xf32>
    %broadcast_in_dim3A_83 = vector.broadcast %jit3A_82 : f32 to vector<24x576xf32>
    %select_n3A_84 = arith.select %eq3A_80, %broadcast_in_dim3A, %broadcast_in_dim3A_83 : vector<24x576xi1>, vector<24x576xf32>
    %jit3A_85 = arith.constant 0.000000e+00 : f32
    %jit3A_86 = arith.constant 1.000000e+00 : f32
    %broadcast_in_dim3A_87 = vector.broadcast %jit3A_85 : f32 to vector<24x576xf32>
    %broadcast_in_dim3A_88 = vector.broadcast %jit3A_86 : f32 to vector<24x576xf32>
    %select_n3A_89 = arith.select %lt3A_8, %broadcast_in_dim3A_87, %broadcast_in_dim3A_88 : vector<24x576xi1>, vector<24x576xf32>
    %slice3A = vector.extract_strided_slice %select_n3A_89 {offsets = [0, 0], sizes = [1, 576], strides = [1, 1]} : vector<24x576xf32> to vector<1x576xf32>
    %lt3A_90 = arith.constant 384 : i32
    %lt3A_91 = vector.broadcast %lt3A_90 : i32 to vector<24x576xi32>
    %lt3A_92 = arith.cmpi slt, %iota3A_6, %lt3A_91 : vector<24x576xi32>
    %jit3A_93 = arith.constant 0.2082351 : f32
    %jit3A_94 = arith.constant 1.000000e+00 : f32
    %broadcast_in_dim3A_95 = vector.broadcast %jit3A_93 : f32 to vector<24x576xf32>
    %broadcast_in_dim3A_96 = vector.broadcast %jit3A_94 : f32 to vector<24x576xf32>
    %select_n3A_97 = arith.select %lt3A_92, %broadcast_in_dim3A_95, %broadcast_in_dim3A_96 : vector<24x576xi1>, vector<24x576xf32>
    %slice3A_98 = vector.extract_strided_slice %select_n3A_97 {offsets = [0, 0], sizes = [1, 576], strides = [1, 1]} : vector<24x576xf32> to vector<1x576xf32>
    %dot_general3A = arith.constant dense<0.000000e+00> : vector<2048x576xf32>
    %dot_general3A_99 = tpu.matmul %cos3A, %convert_element_type3A_55, %dot_general3A {dimension_numbers = #tpu.dot_dimension_numbers<[1], [0], [0], [1], [0, 0, 1, 1], [], []>, transpose_lhs_hint = false} : vector<2048x24xf32>, vector<24x576xf32>, vector<2048x576xf32> -> vector<2048x576xf32>
    %add3A_100 = vector.broadcast %slice3A : vector<1x576xf32> to vector<2048x576xf32>
    %add3A_101 = arith.addf %dot_general3A_99, %add3A_100 : vector<2048x576xf32>
    %mul3A_102 = arith.mulf %convert_element_type3A_55, %select_n3A_84 : vector<24x576xf32>
    %dot_general3A_103 = arith.constant dense<0.000000e+00> : vector<2048x576xf32>
    %dot_general3A_104 = tpu.matmul %sin3A, %mul3A_102, %dot_general3A_103 {dimension_numbers = #tpu.dot_dimension_numbers<[1], [0], [0], [1], [0, 0, 1, 1], [], []>, transpose_lhs_hint = false} : vector<2048x24xf32>, vector<24x576xf32>, vector<2048x576xf32> -> vector<2048x576xf32>
    %mul3A_105 = vector.broadcast %slice3A_98 : vector<1x576xf32> to vector<2048x576xf32>
    %mul3A_106 = arith.mulf %add3A_101, %mul3A_105 : vector<2048x576xf32>
    %swap3A = arith.constant 0 : index
    %swap3A_107 = arith.constant 0 : index
    %swap3A_108 = vector.load %arg0[%swap3A, %swap3A_107] : memref<2048x576xf32, #tpu.memory_space<vmem>>, vector<2048x576xf32>
    tpu.vector_store %arg0[%swap3A, %swap3A_107], %mul3A_106 {strides = array<i32>} : memref<2048x576xf32, #tpu.memory_space<vmem>>, vector<2048x576xf32>,
    %mul3A_109 = vector.broadcast %slice3A_98 : vector<1x576xf32> to vector<2048x576xf32>
    %mul3A_110 = arith.mulf %dot_general3A_104, %mul3A_109 : vector<2048x576xf32>
    %swap3A_111 = arith.constant 0 : index
    %swap3A_112 = arith.constant 0 : index
    %swap3A_113 = vector.load %arg1[%swap3A_111, %swap3A_112] : memref<2048x576xf32, #tpu.memory_space<vmem>>, vector<2048x576xf32>
    tpu.vector_store %arg1[%swap3A_111, %swap3A_112], %mul3A_110 {strides = array<i32>} : memref<2048x576xf32, #tpu.memory_space<vmem>>, vector<2048x576xf32>,
    return
  }
}

module attributes {stable_mosaic.version = 14 : i64} {
  func.func @_fold_body(%arg0: i32, %arg1: memref<1x960x384xf32, #tpu.memory_space<vmem>>, %arg2: memref<1x960x16xf32, #tpu.memory_space<vmem>>, %arg3: memref<1x16x384xf32, #tpu.memory_space<vmem>>, %arg4: memref<1x960x384xf32, #tpu.memory_space<vmem>>) attributes {dimension_semantics = [#tpu.dimension_semantics<arbitrary>], iteration_bounds = array<i64: 1>, scalar_prefetch = 0 : i64, scratch_operands = 0 : i64, tpu.core_type = #tpu.core_type<tc>, window_params = [{transform_indices = @transform_0, window_bounds = array<i64: 1, 960, 384>}, {transform_indices = @transform_1, window_bounds = array<i64: 1, 960, 16>}, {transform_indices = @transform_2, window_bounds = array<i64: 1, 16, 384>}, {transform_indices = @transform_3, window_bounds = array<i64: 1, 960, 384>}]} {
    %get3A = arith.constant 0 : index
    %get3A_0 = arith.constant 0 : index
    %get3A_1 = arith.constant 0 : index
    %get3A_2 = vector.load %arg1[%get3A, %get3A_0, %get3A_1] : memref<1x960x384xf32, #tpu.memory_space<vmem>>, vector<1x960x384xf32>
    %get3A_3 = vector.shape_cast %get3A_2 : vector<1x960x384xf32> to vector<960x384xf32>
    %get3A_4 = arith.constant 0 : index
    %get3A_5 = arith.constant 0 : index
    %get3A_6 = arith.constant 0 : index
    %get3A_7 = vector.load %arg2[%get3A_4, %get3A_5, %get3A_6] : memref<1x960x16xf32, #tpu.memory_space<vmem>>, vector<1x960x16xf32>
    %get3A_8 = vector.shape_cast %get3A_7 : vector<1x960x16xf32> to vector<960x16xf32>
    %get3A_9 = arith.constant 0 : index
    %get3A_10 = arith.constant 0 : index
    %get3A_11 = arith.constant 0 : index
    %get3A_12 = vector.load %arg3[%get3A_9, %get3A_10, %get3A_11] : memref<1x16x384xf32, #tpu.memory_space<vmem>>, vector<1x16x384xf32>
    %get3A_13 = vector.shape_cast %get3A_12 : vector<1x16x384xf32> to vector<16x384xf32>
    %dot_general3A = arith.constant dense<0.000000e+00> : vector<960x384xf32>
    %dot_general3A_14 = tpu.matmul %get3A_8, %get3A_13, %dot_general3A {dimension_numbers = #tpu.dot_dimension_numbers<[1], [0], [0], [1], [0, 0, 1, 1], [], []>, transpose_lhs_hint = false} : vector<960x16xf32>, vector<16x384xf32>, vector<960x384xf32> -> vector<960x384xf32>
    %mul3A = arith.constant 2.500000e-01 : f32
    %mul3A_15 = vector.broadcast %mul3A : f32 to vector<960x384xf32>
    %mul3A_16 = arith.mulf %mul3A_15, %dot_general3A_14 : vector<960x384xf32>
    %add3A = arith.addf %get3A_3, %mul3A_16 : vector<960x384xf32>
    %swap3A = arith.constant 0 : index
    %swap3A_17 = arith.constant 0 : index
    %swap3A_18 = arith.constant 0 : index
    %swap3A_19 = vector.load %arg4[%swap3A, %swap3A_17, %swap3A_18] : memref<1x960x384xf32, #tpu.memory_space<vmem>>, vector<1x960x384xf32>
    %swap3A_20 = vector.shape_cast %swap3A_19 : vector<1x960x384xf32> to vector<960x384xf32>
    %swap3A_21 = vector.shape_cast %add3A : vector<960x384xf32> to vector<1x960x384xf32>
    tpu.vector_store %arg4[%swap3A, %swap3A_17, %swap3A_18], %swap3A_21 {strides = array<i32>} : memref<1x960x384xf32, #tpu.memory_space<vmem>>, vector<1x960x384xf32>,
    return
  }
  func.func @transform_0(%arg0: i32) -> (i32, i32, i32) {
    %c0_i32 = arith.constant 0 : i32
    %c0_i32_0 = arith.constant 0 : i32
    %c0_i32_1 = arith.constant 0 : i32
    return %arg0, %c0_i32, %c0_i32_0 : i32, i32, i32
  }
  func.func @transform_1(%arg0: i32) -> (i32, i32, i32) {
    %c0_i32 = arith.constant 0 : i32
    %c0_i32_0 = arith.constant 0 : i32
    %c0_i32_1 = arith.constant 0 : i32
    return %arg0, %c0_i32, %c0_i32_0 : i32, i32, i32
  }
  func.func @transform_2(%arg0: i32) -> (i32, i32, i32) {
    %c0_i32 = arith.constant 0 : i32
    %c0_i32_0 = arith.constant 0 : i32
    %c0_i32_1 = arith.constant 0 : i32
    return %arg0, %c0_i32, %c0_i32_0 : i32, i32, i32
  }
  func.func @transform_3(%arg0: i32) -> (i32, i32, i32) {
    %c0_i32 = arith.constant 0 : i32
    %c0_i32_0 = arith.constant 0 : i32
    %c0_i32_1 = arith.constant 0 : i32
    return %arg0, %c0_i32, %c0_i32_0 : i32, i32, i32
  }
}

module attributes {stable_mosaic.version = 14 : i64} {
  func.func @_qkv_body(%arg0: i32, %arg1: memref<512x384xf32, #tpu.memory_space<vmem>>, %arg2: memref<1x384xf32, #tpu.memory_space<vmem>>, %arg3: memref<1x384xf32, #tpu.memory_space<vmem>>, %arg4: memref<576x384xf32, #tpu.memory_space<vmem>>, %arg5: memref<512x576xf32, #tpu.memory_space<vmem>>, %arg6: memref<512x576xf32, #tpu.memory_space<vmem>>, %arg7: memref<1x12x512x48xbf16, #tpu.memory_space<vmem>>) attributes {dimension_semantics = [#tpu.dimension_semantics<arbitrary>], iteration_bounds = array<i64: 8>, scalar_prefetch = 0 : i64, scratch_operands = 0 : i64, tpu.core_type = #tpu.core_type<tc>, window_params = [{transform_indices = @transform_0, window_bounds = array<i64: 512, 384>}, {pipeline_mode = #tpu.pipeline_mode<synchronous>, transform_indices = @transform_1, window_bounds = array<i64: 1, 384>}, {pipeline_mode = #tpu.pipeline_mode<synchronous>, transform_indices = @transform_2, window_bounds = array<i64: 1, 384>}, {pipeline_mode = #tpu.pipeline_mode<synchronous>, transform_indices = @transform_3, window_bounds = array<i64: 576, 384>}, {transform_indices = @transform_4, window_bounds = array<i64: 512, 576>}, {transform_indices = @transform_5, window_bounds = array<i64: 512, 576>}, {transform_indices = @transform_6, window_bounds = array<i64: 1, 12, 512, 48>}]} {
    %get3A = arith.constant 0 : index
    %get3A_0 = arith.constant 0 : index
    %get3A_1 = vector.load %arg1[%get3A, %get3A_0] : memref<512x384xf32, #tpu.memory_space<vmem>>, vector<512x384xf32>
    %reduce_sum3A = arith.constant dense<0.000000e+00> : vector<512xf32>
    %reduce_sum3A_2 = vector.multi_reduction <add>, %get3A_1, %reduce_sum3A [1] : vector<512x384xf32> to vector<512xf32>
    %broadcast_in_dim3A = vector.shape_cast %reduce_sum3A_2 : vector<512xf32> to vector<512x1xf32>
    %div3A = arith.constant 3.840000e+02 : f32
    %div3A_3 = vector.broadcast %div3A : f32 to vector<512x1xf32>
    %div3A_4 = arith.divf %broadcast_in_dim3A, %div3A_3 : vector<512x1xf32>
    %sub3A = vector.broadcast %div3A_4 : vector<512x1xf32> to vector<512x384xf32>
    %sub3A_5 = arith.subf %get3A_1, %sub3A : vector<512x384xf32>
    %integer_pow3A = arith.mulf %sub3A_5, %sub3A_5 : vector<512x384xf32>
    %reduce_sum3A_6 = arith.constant dense<0.000000e+00> : vector<512xf32>
    %reduce_sum3A_7 = vector.multi_reduction <add>, %integer_pow3A, %reduce_sum3A_6 [1] : vector<512x384xf32> to vector<512xf32>
    %broadcast_in_dim3A_8 = vector.shape_cast %reduce_sum3A_7 : vector<512xf32> to vector<512x1xf32>
    %div3A_9 = arith.constant 3.840000e+02 : f32
    %div3A_10 = vector.broadcast %div3A_9 : f32 to vector<512x1xf32>
    %div3A_11 = arith.divf %broadcast_in_dim3A_8, %div3A_10 : vector<512x1xf32>
    %sub3A_12 = vector.broadcast %div3A_4 : vector<512x1xf32> to vector<512x384xf32>
    %sub3A_13 = arith.subf %get3A_1, %sub3A_12 : vector<512x384xf32>
    %add3A = arith.constant 9.99999974E-6 : f32
    %add3A_14 = vector.broadcast %add3A : f32 to vector<512x1xf32>
    %add3A_15 = arith.addf %div3A_11, %add3A_14 : vector<512x1xf32>
    %sqrt3A = math.sqrt %add3A_15 : vector<512x1xf32>
    %div3A_16 = vector.broadcast %sqrt3A : vector<512x1xf32> to vector<512x384xf32>
    %div3A_17 = arith.divf %sub3A_13, %div3A_16 : vector<512x384xf32>
    %get3A_18 = arith.constant 0 : index
    %get3A_19 = arith.constant 0 : index
    %get3A_20 = vector.load %arg2[%get3A_18, %get3A_19] : memref<1x384xf32, #tpu.memory_space<vmem>>, vector<1x384xf32>
    %mul3A = vector.broadcast %get3A_20 : vector<1x384xf32> to vector<512x384xf32>
    %mul3A_21 = arith.mulf %div3A_17, %mul3A : vector<512x384xf32>
    %get3A_22 = arith.constant 0 : index
    %get3A_23 = arith.constant 0 : index
    %get3A_24 = vector.load %arg3[%get3A_22, %get3A_23] : memref<1x384xf32, #tpu.memory_space<vmem>>, vector<1x384xf32>
    %add3A_25 = vector.broadcast %get3A_24 : vector<1x384xf32> to vector<512x384xf32>
    %add3A_26 = arith.addf %mul3A_21, %add3A_25 : vector<512x384xf32>
    %convert_element_type3A = arith.truncf %add3A_26 : vector<512x384xf32> to vector<512x384xbf16>
    %get3A_27 = arith.constant 0 : index
    %get3A_28 = arith.constant 0 : index
    %get3A_29 = vector.load %arg4[%get3A_27, %get3A_28] : memref<576x384xf32, #tpu.memory_space<vmem>>, vector<576x384xf32>
    %convert_element_type3A_30 = arith.truncf %get3A_29 : vector<576x384xf32> to vector<576x384xbf16>
    %dot_general3A = arith.constant dense<0.000000e+00> : vector<512x576xf32>
    %dot_general3A_31 = tpu.matmul %convert_element_type3A, %convert_element_type3A_30, %dot_general3A {dimension_numbers = #tpu.dot_dimension_numbers<[1], [1], [0], [0], [0, 0, 1, 0], [], []>, transpose_lhs_hint = false} : vector<512x384xbf16>, vector<576x384xbf16>, vector<512x576xf32> -> vector<512x576xf32>
    %iota3A = tpu.iota {dimensions = array<i32: 1>} : vector<512x576xi32>
    %jit3A = arith.constant 2 : i32
    %eq3A = arith.constant 0 : i32
    %eq3A_32 = arith.cmpi eq, %jit3A, %eq3A : i32
    %jit3A_33 = arith.constant 1 : i32
    %select_n3A = arith.select %eq3A_32, %jit3A_33, %jit3A : i32
    %rem3A = vector.broadcast %select_n3A : i32 to vector<512x576xi32>
    %rem3A_34 = arith.remsi %iota3A, %rem3A : vector<512x576xi32>
    %ne3A = arith.constant 0 : i32
    %ne3A_35 = vector.broadcast %ne3A : i32 to vector<512x576xi32>
    %ne3A_36 = arith.cmpi ne, %rem3A_34, %ne3A_35 : vector<512x576xi32>
    %lt3A = arith.constant 0 : i32
    %lt3A_37 = vector.broadcast %lt3A : i32 to vector<512x576xi32>
    %lt3A_38 = arith.cmpi slt, %rem3A_34, %lt3A_37 : vector<512x576xi32>
    %lt3A_39 = arith.constant 0 : i32
    %lt3A_40 = arith.cmpi slt, %select_n3A, %lt3A_39 : i32
    %ne3A_41 = vector.broadcast %lt3A_40 : i1 to vector<512x576xi1>
    %ne3A_42 = vector.broadcast %ne3A_41 : vector<512x576xi1> to vector<512x576xi1>
    %ne3A_43 = arith.xori %lt3A_38, %ne3A_42 : vector<512x576xi1>
    %and3A = arith.andi %ne3A_43, %ne3A_36 : vector<512x576xi1>
    %add3A_44 = vector.broadcast %select_n3A : i32 to vector<512x576xi32>
    %add3A_45 = arith.addi %rem3A_34, %add3A_44 : vector<512x576xi32>
    %select_n3A_46 = arith.select %and3A, %add3A_45, %rem3A_34 : vector<512x576xi1>, vector<512x576xi32>
    %eq3A_47 = arith.constant 0 : i32
    %eq3A_48 = vector.broadcast %eq3A_47 : i32 to vector<512x576xi32>
    %eq3A_49 = arith.cmpi eq, %select_n3A_46, %eq3A_48 : vector<512x576xi32>
    %roll3A = arith.constant 575 : i32
    %roll3A_50 = tpu.dynamic_rotate %dot_general3A_31 by %roll3A dim 1 : vector<512x576xf32>, i32 -> vector<512x576xf32>
    %roll3A_51 = arith.constant 1 : i32
    %roll3A_52 = tpu.dynamic_rotate %dot_general3A_31 by %roll3A_51 dim 1 : vector<512x576xf32>, i32 -> vector<512x576xf32>
    %select_n3A_53 = arith.select %eq3A_49, %roll3A_50, %roll3A_52 : vector<512x576xi1>, vector<512x576xf32>
    %get3A_54 = arith.constant 0 : index
    %get3A_55 = arith.constant 0 : index
    %get3A_56 = vector.load %arg5[%get3A_54, %get3A_55] : memref<512x576xf32, #tpu.memory_space<vmem>>, vector<512x576xf32>
    %mul3A_57 = arith.mulf %dot_general3A_31, %get3A_56 : vector<512x576xf32>
    %get3A_58 = arith.constant 0 : index
    %get3A_59 = arith.constant 0 : index
    %get3A_60 = vector.load %arg6[%get3A_58, %get3A_59] : memref<512x576xf32, #tpu.memory_space<vmem>>, vector<512x576xf32>
    %mul3A_61 = arith.mulf %select_n3A_53, %get3A_60 : vector<512x576xf32>
    %add3A_62 = arith.addf %mul3A_57, %mul3A_61 : vector<512x576xf32>
    %convert_element_type3A_63 = arith.truncf %add3A_62 : vector<512x576xf32> to vector<512x576xbf16>
    %slice3A = vector.extract_strided_slice %convert_element_type3A_63 {offsets = [0, 0], sizes = [512, 48], strides = [1, 1]} : vector<512x576xbf16> to vector<512x48xbf16>
    %swap3A = arith.constant 0 : index
    %swap3A_64 = arith.constant 0 : index
    %swap3A_65 = arith.constant 0 : index
    %swap3A_66 = arith.constant 0 : index
    %swap3A_67 = vector.load %arg7[%swap3A, %swap3A_64, %swap3A_65, %swap3A_66] : memref<1x12x512x48xbf16, #tpu.memory_space<vmem>>, vector<1x1x512x48xbf16>
    %swap3A_68 = vector.shape_cast %swap3A_67 : vector<1x1x512x48xbf16> to vector<512x48xbf16>
    %swap3A_69 = vector.shape_cast %slice3A : vector<512x48xbf16> to vector<1x1x512x48xbf16>
    tpu.vector_store %arg7[%swap3A, %swap3A_64, %swap3A_65, %swap3A_66], %swap3A_69 {strides = array<i32>} : memref<1x12x512x48xbf16, #tpu.memory_space<vmem>>, vector<1x1x512x48xbf16>,
    %slice3A_70 = vector.extract_strided_slice %convert_element_type3A_63 {offsets = [0, 48], sizes = [512, 48], strides = [1, 1]} : vector<512x576xbf16> to vector<512x48xbf16>
    %swap3A_71 = arith.constant 0 : index
    %swap3A_72 = arith.constant 1 : index
    %swap3A_73 = arith.constant 0 : index
    %swap3A_74 = arith.constant 0 : index
    %swap3A_75 = vector.load %arg7[%swap3A_71, %swap3A_72, %swap3A_73, %swap3A_74] : memref<1x12x512x48xbf16, #tpu.memory_space<vmem>>, vector<1x1x512x48xbf16>
    %swap3A_76 = vector.shape_cast %swap3A_75 : vector<1x1x512x48xbf16> to vector<512x48xbf16>
    %swap3A_77 = vector.shape_cast %slice3A_70 : vector<512x48xbf16> to vector<1x1x512x48xbf16>
    tpu.vector_store %arg7[%swap3A_71, %swap3A_72, %swap3A_73, %swap3A_74], %swap3A_77 {strides = array<i32>} : memref<1x12x512x48xbf16, #tpu.memory_space<vmem>>, vector<1x1x512x48xbf16>,
    %slice3A_78 = vector.extract_strided_slice %convert_element_type3A_63 {offsets = [0, 96], sizes = [512, 48], strides = [1, 1]} : vector<512x576xbf16> to vector<512x48xbf16>
    %swap3A_79 = arith.constant 0 : index
    %swap3A_80 = arith.constant 2 : index
    %swap3A_81 = arith.constant 0 : index
    %swap3A_82 = arith.constant 0 : index
    %swap3A_83 = vector.load %arg7[%swap3A_79, %swap3A_80, %swap3A_81, %swap3A_82] : memref<1x12x512x48xbf16, #tpu.memory_space<vmem>>, vector<1x1x512x48xbf16>
    %swap3A_84 = vector.shape_cast %swap3A_83 : vector<1x1x512x48xbf16> to vector<512x48xbf16>
    %swap3A_85 = vector.shape_cast %slice3A_78 : vector<512x48xbf16> to vector<1x1x512x48xbf16>
    tpu.vector_store %arg7[%swap3A_79, %swap3A_80, %swap3A_81, %swap3A_82], %swap3A_85 {strides = array<i32>} : memref<1x12x512x48xbf16, #tpu.memory_space<vmem>>, vector<1x1x512x48xbf16>,
    %slice3A_86 = vector.extract_strided_slice %convert_element_type3A_63 {offsets = [0, 144], sizes = [512, 48], strides = [1, 1]} : vector<512x576xbf16> to vector<512x48xbf16>
    %swap3A_87 = arith.constant 0 : index
    %swap3A_88 = arith.constant 3 : index
    %swap3A_89 = arith.constant 0 : index
    %swap3A_90 = arith.constant 0 : index
    %swap3A_91 = vector.load %arg7[%swap3A_87, %swap3A_88, %swap3A_89, %swap3A_90] : memref<1x12x512x48xbf16, #tpu.memory_space<vmem>>, vector<1x1x512x48xbf16>
    %swap3A_92 = vector.shape_cast %swap3A_91 : vector<1x1x512x48xbf16> to vector<512x48xbf16>
    %swap3A_93 = vector.shape_cast %slice3A_86 : vector<512x48xbf16> to vector<1x1x512x48xbf16>
    tpu.vector_store %arg7[%swap3A_87, %swap3A_88, %swap3A_89, %swap3A_90], %swap3A_93 {strides = array<i32>} : memref<1x12x512x48xbf16, #tpu.memory_space<vmem>>, vector<1x1x512x48xbf16>,
    %slice3A_94 = vector.extract_strided_slice %convert_element_type3A_63 {offsets = [0, 192], sizes = [512, 48], strides = [1, 1]} : vector<512x576xbf16> to vector<512x48xbf16>
    %swap3A_95 = arith.constant 0 : index
    %swap3A_96 = arith.constant 4 : index
    %swap3A_97 = arith.constant 0 : index
    %swap3A_98 = arith.constant 0 : index
    %swap3A_99 = vector.load %arg7[%swap3A_95, %swap3A_96, %swap3A_97, %swap3A_98] : memref<1x12x512x48xbf16, #tpu.memory_space<vmem>>, vector<1x1x512x48xbf16>
    %swap3A_100 = vector.shape_cast %swap3A_99 : vector<1x1x512x48xbf16> to vector<512x48xbf16>
    %swap3A_101 = vector.shape_cast %slice3A_94 : vector<512x48xbf16> to vector<1x1x512x48xbf16>
    tpu.vector_store %arg7[%swap3A_95, %swap3A_96, %swap3A_97, %swap3A_98], %swap3A_101 {strides = array<i32>} : memref<1x12x512x48xbf16, #tpu.memory_space<vmem>>, vector<1x1x512x48xbf16>,
    %slice3A_102 = vector.extract_strided_slice %convert_element_type3A_63 {offsets = [0, 240], sizes = [512, 48], strides = [1, 1]} : vector<512x576xbf16> to vector<512x48xbf16>
    %swap3A_103 = arith.constant 0 : index
    %swap3A_104 = arith.constant 5 : index
    %swap3A_105 = arith.constant 0 : index
    %swap3A_106 = arith.constant 0 : index
    %swap3A_107 = vector.load %arg7[%swap3A_103, %swap3A_104, %swap3A_105, %swap3A_106] : memref<1x12x512x48xbf16, #tpu.memory_space<vmem>>, vector<1x1x512x48xbf16>
    %swap3A_108 = vector.shape_cast %swap3A_107 : vector<1x1x512x48xbf16> to vector<512x48xbf16>
    %swap3A_109 = vector.shape_cast %slice3A_102 : vector<512x48xbf16> to vector<1x1x512x48xbf16>
    tpu.vector_store %arg7[%swap3A_103, %swap3A_104, %swap3A_105, %swap3A_106], %swap3A_109 {strides = array<i32>} : memref<1x12x512x48xbf16, #tpu.memory_space<vmem>>, vector<1x1x512x48xbf16>,
    %slice3A_110 = vector.extract_strided_slice %convert_element_type3A_63 {offsets = [0, 288], sizes = [512, 48], strides = [1, 1]} : vector<512x576xbf16> to vector<512x48xbf16>
    %swap3A_111 = arith.constant 0 : index
    %swap3A_112 = arith.constant 6 : index
    %swap3A_113 = arith.constant 0 : index
    %swap3A_114 = arith.constant 0 : index
    %swap3A_115 = vector.load %arg7[%swap3A_111, %swap3A_112, %swap3A_113, %swap3A_114] : memref<1x12x512x48xbf16, #tpu.memory_space<vmem>>, vector<1x1x512x48xbf16>
    %swap3A_116 = vector.shape_cast %swap3A_115 : vector<1x1x512x48xbf16> to vector<512x48xbf16>
    %swap3A_117 = vector.shape_cast %slice3A_110 : vector<512x48xbf16> to vector<1x1x512x48xbf16>
    tpu.vector_store %arg7[%swap3A_111, %swap3A_112, %swap3A_113, %swap3A_114], %swap3A_117 {strides = array<i32>} : memref<1x12x512x48xbf16, #tpu.memory_space<vmem>>, vector<1x1x512x48xbf16>,
    %slice3A_118 = vector.extract_strided_slice %convert_element_type3A_63 {offsets = [0, 336], sizes = [512, 48], strides = [1, 1]} : vector<512x576xbf16> to vector<512x48xbf16>
    %swap3A_119 = arith.constant 0 : index
    %swap3A_120 = arith.constant 7 : index
    %swap3A_121 = arith.constant 0 : index
    %swap3A_122 = arith.constant 0 : index
    %swap3A_123 = vector.load %arg7[%swap3A_119, %swap3A_120, %swap3A_121, %swap3A_122] : memref<1x12x512x48xbf16, #tpu.memory_space<vmem>>, vector<1x1x512x48xbf16>
    %swap3A_124 = vector.shape_cast %swap3A_123 : vector<1x1x512x48xbf16> to vector<512x48xbf16>
    %swap3A_125 = vector.shape_cast %slice3A_118 : vector<512x48xbf16> to vector<1x1x512x48xbf16>
    tpu.vector_store %arg7[%swap3A_119, %swap3A_120, %swap3A_121, %swap3A_122], %swap3A_125 {strides = array<i32>} : memref<1x12x512x48xbf16, #tpu.memory_space<vmem>>, vector<1x1x512x48xbf16>,
    %slice3A_126 = vector.extract_strided_slice %convert_element_type3A_63 {offsets = [0, 384], sizes = [512, 48], strides = [1, 1]} : vector<512x576xbf16> to vector<512x48xbf16>
    %swap3A_127 = arith.constant 0 : index
    %swap3A_128 = arith.constant 8 : index
    %swap3A_129 = arith.constant 0 : index
    %swap3A_130 = arith.constant 0 : index
    %swap3A_131 = vector.load %arg7[%swap3A_127, %swap3A_128, %swap3A_129, %swap3A_130] : memref<1x12x512x48xbf16, #tpu.memory_space<vmem>>, vector<1x1x512x48xbf16>
    %swap3A_132 = vector.shape_cast %swap3A_131 : vector<1x1x512x48xbf16> to vector<512x48xbf16>
    %swap3A_133 = vector.shape_cast %slice3A_126 : vector<512x48xbf16> to vector<1x1x512x48xbf16>
    tpu.vector_store %arg7[%swap3A_127, %swap3A_128, %swap3A_129, %swap3A_130], %swap3A_133 {strides = array<i32>} : memref<1x12x512x48xbf16, #tpu.memory_space<vmem>>, vector<1x1x512x48xbf16>,
    %slice3A_134 = vector.extract_strided_slice %convert_element_type3A_63 {offsets = [0, 432], sizes = [512, 48], strides = [1, 1]} : vector<512x576xbf16> to vector<512x48xbf16>
    %swap3A_135 = arith.constant 0 : index
    %swap3A_136 = arith.constant 9 : index
    %swap3A_137 = arith.constant 0 : index
    %swap3A_138 = arith.constant 0 : index
    %swap3A_139 = vector.load %arg7[%swap3A_135, %swap3A_136, %swap3A_137, %swap3A_138] : memref<1x12x512x48xbf16, #tpu.memory_space<vmem>>, vector<1x1x512x48xbf16>
    %swap3A_140 = vector.shape_cast %swap3A_139 : vector<1x1x512x48xbf16> to vector<512x48xbf16>
    %swap3A_141 = vector.shape_cast %slice3A_134 : vector<512x48xbf16> to vector<1x1x512x48xbf16>
    tpu.vector_store %arg7[%swap3A_135, %swap3A_136, %swap3A_137, %swap3A_138], %swap3A_141 {strides = array<i32>} : memref<1x12x512x48xbf16, #tpu.memory_space<vmem>>, vector<1x1x512x48xbf16>,
    %slice3A_142 = vector.extract_strided_slice %convert_element_type3A_63 {offsets = [0, 480], sizes = [512, 48], strides = [1, 1]} : vector<512x576xbf16> to vector<512x48xbf16>
    %swap3A_143 = arith.constant 0 : index
    %swap3A_144 = arith.constant 10 : index
    %swap3A_145 = arith.constant 0 : index
    %swap3A_146 = arith.constant 0 : index
    %swap3A_147 = vector.load %arg7[%swap3A_143, %swap3A_144, %swap3A_145, %swap3A_146] : memref<1x12x512x48xbf16, #tpu.memory_space<vmem>>, vector<1x1x512x48xbf16>
    %swap3A_148 = vector.shape_cast %swap3A_147 : vector<1x1x512x48xbf16> to vector<512x48xbf16>
    %swap3A_149 = vector.shape_cast %slice3A_142 : vector<512x48xbf16> to vector<1x1x512x48xbf16>
    tpu.vector_store %arg7[%swap3A_143, %swap3A_144, %swap3A_145, %swap3A_146], %swap3A_149 {strides = array<i32>} : memref<1x12x512x48xbf16, #tpu.memory_space<vmem>>, vector<1x1x512x48xbf16>,
    %slice3A_150 = vector.extract_strided_slice %convert_element_type3A_63 {offsets = [0, 528], sizes = [512, 48], strides = [1, 1]} : vector<512x576xbf16> to vector<512x48xbf16>
    %swap3A_151 = arith.constant 0 : index
    %swap3A_152 = arith.constant 11 : index
    %swap3A_153 = arith.constant 0 : index
    %swap3A_154 = arith.constant 0 : index
    %swap3A_155 = vector.load %arg7[%swap3A_151, %swap3A_152, %swap3A_153, %swap3A_154] : memref<1x12x512x48xbf16, #tpu.memory_space<vmem>>, vector<1x1x512x48xbf16>
    %swap3A_156 = vector.shape_cast %swap3A_155 : vector<1x1x512x48xbf16> to vector<512x48xbf16>
    %swap3A_157 = vector.shape_cast %slice3A_150 : vector<512x48xbf16> to vector<1x1x512x48xbf16>
    tpu.vector_store %arg7[%swap3A_151, %swap3A_152, %swap3A_153, %swap3A_154], %swap3A_157 {strides = array<i32>} : memref<1x12x512x48xbf16, #tpu.memory_space<vmem>>, vector<1x1x512x48xbf16>,
    return
  }
  func.func @transform_0(%arg0: i32) -> (i32, i32) {
    %c0_i32 = arith.constant 0 : i32
    %c0_i32_0 = arith.constant 0 : i32
    return %arg0, %c0_i32 : i32, i32
  }
  func.func @transform_1(%arg0: i32) -> (i32, i32) {
    %c0_i32 = arith.constant 0 : i32
    %c0_i32_0 = arith.constant 0 : i32
    %c0_i32_1 = arith.constant 0 : i32
    return %c0_i32, %c0_i32_0 : i32, i32
  }
  func.func @transform_2(%arg0: i32) -> (i32, i32) {
    %c0_i32 = arith.constant 0 : i32
    %c0_i32_0 = arith.constant 0 : i32
    %c0_i32_1 = arith.constant 0 : i32
    return %c0_i32, %c0_i32_0 : i32, i32
  }
  func.func @transform_3(%arg0: i32) -> (i32, i32) {
    %c0_i32 = arith.constant 0 : i32
    %c0_i32_0 = arith.constant 0 : i32
    %c0_i32_1 = arith.constant 0 : i32
    return %c0_i32, %c0_i32_0 : i32, i32
  }
  func.func @transform_4(%arg0: i32) -> (i32, i32) {
    %jit3A = arith.constant 4 : i32
    %eq3A = arith.constant 0 : i32
    %eq3A_0 = arith.cmpi eq, %jit3A, %eq3A : i32
    %jit3A_1 = arith.constant 1 : i32
    %select_n3A = arith.select %eq3A_0, %jit3A_1, %jit3A : i32
    %rem3A = arith.remsi %arg0, %select_n3A : i32
    %ne3A = arith.constant 0 : i32
    %ne3A_2 = arith.cmpi ne, %rem3A, %ne3A : i32
    %lt3A = arith.constant 0 : i32
    %lt3A_3 = arith.cmpi slt, %rem3A, %lt3A : i32
    %lt3A_4 = arith.constant 0 : i32
    %lt3A_5 = arith.cmpi slt, %select_n3A, %lt3A_4 : i32
    %ne3A_6 = arith.xori %lt3A_3, %lt3A_5 : i1
    %and3A = arith.andi %ne3A_6, %ne3A_2 : i1
    %add3A = arith.addi %rem3A, %select_n3A : i32
    %select_n3A_7 = arith.select %and3A, %add3A, %rem3A : i32
    %c0_i32 = arith.constant 0 : i32
    %c0_i32_8 = arith.constant 0 : i32
    return %select_n3A_7, %c0_i32 : i32, i32
  }
  func.func @transform_5(%arg0: i32) -> (i32, i32) {
    %jit3A = arith.constant 4 : i32
    %eq3A = arith.constant 0 : i32
    %eq3A_0 = arith.cmpi eq, %jit3A, %eq3A : i32
    %jit3A_1 = arith.constant 1 : i32
    %select_n3A = arith.select %eq3A_0, %jit3A_1, %jit3A : i32
    %rem3A = arith.remsi %arg0, %select_n3A : i32
    %ne3A = arith.constant 0 : i32
    %ne3A_2 = arith.cmpi ne, %rem3A, %ne3A : i32
    %lt3A = arith.constant 0 : i32
    %lt3A_3 = arith.cmpi slt, %rem3A, %lt3A : i32
    %lt3A_4 = arith.constant 0 : i32
    %lt3A_5 = arith.cmpi slt, %select_n3A, %lt3A_4 : i32
    %ne3A_6 = arith.xori %lt3A_3, %lt3A_5 : i1
    %and3A = arith.andi %ne3A_6, %ne3A_2 : i1
    %add3A = arith.addi %rem3A, %select_n3A : i32
    %select_n3A_7 = arith.select %and3A, %add3A, %rem3A : i32
    %c0_i32 = arith.constant 0 : i32
    %c0_i32_8 = arith.constant 0 : i32
    return %select_n3A_7, %c0_i32 : i32, i32
  }
  func.func @transform_6(%arg0: i32) -> (i32, i32, i32, i32) {
    %jit3A = arith.constant 4 : i32
    %div3A = arith.divsi %arg0, %jit3A : i32
    %sign3A = arith.constant 0 : i32
    %sign3A_0 = arith.cmpi sgt, %arg0, %sign3A : i32
    %sign3A_1 = arith.extui %sign3A_0 : i1 to i32
    %sign3A_2 = arith.constant 0 : i32
    %sign3A_3 = arith.cmpi slt, %arg0, %sign3A_2 : i32
    %sign3A_4 = arith.extui %sign3A_3 : i1 to i32
    %sign3A_5 = arith.subi %sign3A_1, %sign3A_4 : i32
    %sign3A_6 = arith.constant 0 : i32
    %sign3A_7 = arith.cmpi sgt, %jit3A, %sign3A_6 : i32
    %sign3A_8 = arith.extui %sign3A_7 : i1 to i32
    %sign3A_9 = arith.constant 0 : i32
    %sign3A_10 = arith.cmpi slt, %jit3A, %sign3A_9 : i32
    %sign3A_11 = arith.extui %sign3A_10 : i1 to i32
    %sign3A_12 = arith.subi %sign3A_8, %sign3A_11 : i32
    %ne3A = arith.cmpi ne, %sign3A_5, %sign3A_12 : i32
    %rem3A = arith.remsi %arg0, %jit3A : i32
    %ne3A_13 = arith.constant 0 : i32
    %ne3A_14 = arith.cmpi ne, %rem3A, %ne3A_13 : i32
    %and3A = arith.andi %ne3A, %ne3A_14 : i1
    %sub3A = arith.constant 1 : i32
    %sub3A_15 = arith.subi %div3A, %sub3A : i32
    %select_n3A = arith.select %and3A, %sub3A_15, %div3A : i32
    %jit3A_16 = arith.constant 4 : i32
    %eq3A = arith.constant 0 : i32
    %eq3A_17 = arith.cmpi eq, %jit3A_16, %eq3A : i32
    %jit3A_18 = arith.constant 1 : i32
    %select_n3A_19 = arith.select %eq3A_17, %jit3A_18, %jit3A_16 : i32
    %rem3A_20 = arith.remsi %arg0, %select_n3A_19 : i32
    %ne3A_21 = arith.constant 0 : i32
    %ne3A_22 = arith.cmpi ne, %rem3A_20, %ne3A_21 : i32
    %lt3A = arith.constant 0 : i32
    %lt3A_23 = arith.cmpi slt, %rem3A_20, %lt3A : i32
    %lt3A_24 = arith.constant 0 : i32
    %lt3A_25 = arith.cmpi slt, %select_n3A_19, %lt3A_24 : i32
    %ne3A_26 = arith.xori %lt3A_23, %lt3A_25 : i1
    %and3A_27 = arith.andi %ne3A_26, %ne3A_22 : i1
    %add3A = arith.addi %rem3A_20, %select_n3A_19 : i32
    %select_n3A_28 = arith.select %and3A_27, %add3A, %rem3A_20 : i32
    %c0_i32 = arith.constant 0 : i32
    %c0_i32_29 = arith.constant 0 : i32
    %c0_i32_30 = arith.constant 0 : i32
    return %select_n3A, %c0_i32, %select_n3A_28, %c0_i32_29 : i32, i32, i32, i32
  }
}

module attributes {stable_mosaic.version = 14 : i64} {
  func.func @_flash_body(%arg0: i32, %arg1: i32, %arg2: i32, %arg3: memref<1x4x512x48xbf16, #tpu.memory_space<vmem>>, %arg4: memref<1x1x512x48xbf16, #tpu.memory_space<vmem>>, %arg5: memref<1x1x512x48xbf16, #tpu.memory_space<vmem>>, %arg6: memref<1x4x512x48xbf16, #tpu.memory_space<vmem>>, %arg7: memref<2048x128xf32, #tpu.memory_space<vmem>>, %arg8: memref<2048x128xf32, #tpu.memory_space<vmem>>, %arg9: memref<2048x48xf32, #tpu.memory_space<vmem>>) attributes {dimension_semantics = [#tpu.dimension_semantics<arbitrary>, #tpu.dimension_semantics<arbitrary>, #tpu.dimension_semantics<arbitrary>], iteration_bounds = array<i64: 2, 2, 10>, scalar_prefetch = 0 : i64, scratch_operands = 3 : i64, tpu.core_type = #tpu.core_type<tc>, window_params = [{transform_indices = @transform_0, window_bounds = array<i64: 1, 4, 512, 48>}, {transform_indices = @transform_1, window_bounds = array<i64: 1, 1, 512, 48>}, {transform_indices = @transform_2, window_bounds = array<i64: 1, 1, 512, 48>}, {transform_indices = @transform_3, window_bounds = array<i64: 1, 4, 512, 48>}]} {
    %ge3A = arith.constant 1 : i32
    %ge3A_0 = arith.cmpi sge, %arg2, %ge3A : i32
    %convert_element_type3A = arith.extui %ge3A_0 : i1 to i32
    %add3A = arith.constant 0 : i32
    %add3A_1 = arith.addi %add3A, %convert_element_type3A : i32
    %ge3A_2 = arith.constant 3 : i32
    %ge3A_3 = arith.cmpi sge, %arg2, %ge3A_2 : i32
    %convert_element_type3A_4 = arith.extui %ge3A_3 : i1 to i32
    %add3A_5 = arith.addi %add3A_1, %convert_element_type3A_4 : i32
    %ge3A_6 = arith.constant 6 : i32
    %ge3A_7 = arith.cmpi sge, %arg2, %ge3A_6 : i32
    %convert_element_type3A_8 = arith.extui %ge3A_7 : i1 to i32
    %add3A_9 = arith.addi %add3A_5, %convert_element_type3A_8 : i32
    %add3A_10 = arith.constant 1 : i32
    %add3A_11 = arith.addi %add3A_9, %add3A_10 : i32
    %mul3A = arith.muli %add3A_9, %add3A_11 : i32
    %jit3A = arith.constant 2 : i32
    %div3A = arith.divsi %mul3A, %jit3A : i32
    %sign3A = arith.constant 0 : i32
    %sign3A_12 = arith.cmpi sgt, %mul3A, %sign3A : i32
    %sign3A_13 = arith.extui %sign3A_12 : i1 to i32
    %sign3A_14 = arith.constant 0 : i32
    %sign3A_15 = arith.cmpi slt, %mul3A, %sign3A_14 : i32
    %sign3A_16 = arith.extui %sign3A_15 : i1 to i32
    %sign3A_17 = arith.subi %sign3A_13, %sign3A_16 : i32
    %sign3A_18 = arith.constant 0 : i32
    %sign3A_19 = arith.cmpi sgt, %jit3A, %sign3A_18 : i32
    %sign3A_20 = arith.extui %sign3A_19 : i1 to i32
    %sign3A_21 = arith.constant 0 : i32
    %sign3A_22 = arith.cmpi slt, %jit3A, %sign3A_21 : i32
    %sign3A_23 = arith.extui %sign3A_22 : i1 to i32
    %sign3A_24 = arith.subi %sign3A_20, %sign3A_23 : i32
    %ne3A = arith.cmpi ne, %sign3A_17, %sign3A_24 : i32
    %rem3A = arith.remsi %mul3A, %jit3A : i32
    %ne3A_25 = arith.constant 0 : i32
    %ne3A_26 = arith.cmpi ne, %rem3A, %ne3A_25 : i32
    %and3A = arith.andi %ne3A, %ne3A_26 : i1
    %sub3A = arith.constant 1 : i32
    %sub3A_27 = arith.subi %div3A, %sub3A : i32
    %select_n3A = arith.select %and3A, %sub3A_27, %div3A : i32
    %sub3A_28 = arith.subi %arg2, %select_n3A : i32
    %eq3A = arith.constant 0 : i32
    %eq3A_29 = arith.cmpi eq, %sub3A_28, %eq3A : i32
    %convert_element_type3A_30 = arith.extui %eq3A_29 : i1 to i32
    %cond3A = arith.constant 0 : i32
    %cond3A_31 = arith.cmpi ne, %convert_element_type3A_30, %cond3A : i32
    scf.if %cond3A_31 {
      %broadcast_in_dim3A = arith.constant -1.000000e+30 : f32
      %broadcast_in_dim3A_39 = vector.broadcast %broadcast_in_dim3A : f32 to vector<2048x128xf32>
      %swap3A = arith.constant 0 : index
      %swap3A_40 = arith.constant 0 : index
      %swap3A_41 = vector.load %arg7[%swap3A, %swap3A_40] : memref<2048x128xf32, #tpu.memory_space<vmem>>, vector<2048x128xf32>
      tpu.vector_store %arg7[%swap3A, %swap3A_40], %broadcast_in_dim3A_39 {strides = array<i32>} : memref<2048x128xf32, #tpu.memory_space<vmem>>, vector<2048x128xf32>,
      %broadcast_in_dim3A_42 = arith.constant 0.000000e+00 : f32
      %broadcast_in_dim3A_43 = vector.broadcast %broadcast_in_dim3A_42 : f32 to vector<2048x128xf32>
      %swap3A_44 = arith.constant 0 : index
      %swap3A_45 = arith.constant 0 : index
      %swap3A_46 = vector.load %arg8[%swap3A_44, %swap3A_45] : memref<2048x128xf32, #tpu.memory_space<vmem>>, vector<2048x128xf32>
      tpu.vector_store %arg8[%swap3A_44, %swap3A_45], %broadcast_in_dim3A_43 {strides = array<i32>} : memref<2048x128xf32, #tpu.memory_space<vmem>>, vector<2048x128xf32>,
      %broadcast_in_dim3A_47 = arith.constant 0.000000e+00 : f32
      %broadcast_in_dim3A_48 = vector.broadcast %broadcast_in_dim3A_47 : f32 to vector<2048x48xf32>
      %swap3A_49 = arith.constant 0 : index
      %swap3A_50 = arith.constant 0 : index
      %swap3A_51 = vector.load %arg9[%swap3A_49, %swap3A_50] : memref<2048x48xf32, #tpu.memory_space<vmem>>, vector<2048x48xf32>
      tpu.vector_store %arg9[%swap3A_49, %swap3A_50], %broadcast_in_dim3A_48 {strides = array<i32>} : memref<2048x48xf32, #tpu.memory_space<vmem>>, vector<2048x48xf32>,
    } else {
    }
    %lt3A = arith.cmpi slt, %sub3A_28, %add3A_9 : i32
    %convert_element_type3A_32 = arith.extui %lt3A : i1 to i32
    %cond3A_33 = arith.constant 0 : i32
    %cond3A_34 = arith.cmpi ne, %convert_element_type3A_32, %cond3A_33 : i32
    scf.if %cond3A_34 {
      %get3A = arith.constant 0 : index
      %get3A_39 = arith.constant 0 : index
      %get3A_40 = arith.constant 0 : index
      %get3A_41 = arith.constant 0 : index
      %get3A_42 = vector.load %arg3[%get3A, %get3A_39, %get3A_40, %get3A_41] : memref<1x4x512x48xbf16, #tpu.memory_space<vmem>>, vector<1x4x512x48xbf16>
      %get3A_43 = vector.shape_cast %get3A_42 : vector<1x4x512x48xbf16> to vector<4x512x48xbf16>
      %reshape3A = vector.shape_cast %get3A_43 : vector<4x512x48xbf16> to vector<2048x48xbf16>
      %get3A_44 = arith.constant 0 : index
      %get3A_45 = arith.constant 0 : index
      %get3A_46 = arith.constant 0 : index
      %get3A_47 = arith.constant 0 : index
      %get3A_48 = vector.load %arg4[%get3A_44, %get3A_45, %get3A_46, %get3A_47] : memref<1x1x512x48xbf16, #tpu.memory_space<vmem>>, vector<1x1x512x48xbf16>
      %get3A_49 = vector.shape_cast %get3A_48 : vector<1x1x512x48xbf16> to vector<512x48xbf16>
      %dot_general3A = arith.constant dense<0.000000e+00> : vector<2048x512xf32>
      %dot_general3A_50 = tpu.matmul %reshape3A, %get3A_49, %dot_general3A {dimension_numbers = #tpu.dot_dimension_numbers<[1], [1], [0], [0], [0, 0, 1, 0], [], []>, transpose_lhs_hint = false} : vector<2048x48xbf16>, vector<512x48xbf16>, vector<2048x512xf32> -> vector<2048x512xf32>
      %get3A_51 = arith.constant 0 : index
      %get3A_52 = arith.constant 0 : index
      %get3A_53 = vector.load %arg7[%get3A_51, %get3A_52] : memref<2048x128xf32, #tpu.memory_space<vmem>>, vector<2048x1xf32>
      %reduce_max3A = arith.constant dense<0xFF800000> : vector<2048xf32>
      %reduce_max3A_54 = vector.multi_reduction <maximumf>, %dot_general3A_50, %reduce_max3A [1] : vector<2048x512xf32> to vector<2048xf32>
      %broadcast_in_dim3A = vector.shape_cast %reduce_max3A_54 : vector<2048xf32> to vector<2048x1xf32>
      %max3A = arith.maximumf %get3A_53, %broadcast_in_dim3A : vector<2048x1xf32>
      %sub3A_55 = arith.subf %get3A_53, %max3A : vector<2048x1xf32>
      %exp23A = math.exp2 %sub3A_55 : vector<2048x1xf32>
      %sub3A_56 = vector.broadcast %max3A : vector<2048x1xf32> to vector<2048x512xf32>
      %sub3A_57 = arith.subf %dot_general3A_50, %sub3A_56 : vector<2048x512xf32>
      %exp23A_58 = math.exp2 %sub3A_57 : vector<2048x512xf32>
      %get3A_59 = arith.constant 0 : index
      %get3A_60 = arith.constant 0 : index
      %get3A_61 = vector.load %arg8[%get3A_59, %get3A_60] : memref<2048x128xf32, #tpu.memory_space<vmem>>, vector<2048x1xf32>
      %mul3A_62 = arith.mulf %get3A_61, %exp23A : vector<2048x1xf32>
      %reduce_sum3A = arith.constant dense<0.000000e+00> : vector<2048xf32>
      %reduce_sum3A_63 = vector.multi_reduction <add>, %exp23A_58, %reduce_sum3A [1] : vector<2048x512xf32> to vector<2048xf32>
      %broadcast_in_dim3A_64 = vector.shape_cast %reduce_sum3A_63 : vector<2048xf32> to vector<2048x1xf32>
      %add3A_65 = arith.addf %mul3A_62, %broadcast_in_dim3A_64 : vector<2048x1xf32>
      %swap3A = arith.constant 0 : index
      %swap3A_66 = arith.constant 0 : index
      %swap3A_67 = vector.load %arg8[%swap3A, %swap3A_66] : memref<2048x128xf32, #tpu.memory_space<vmem>>, vector<2048x1xf32>
      tpu.vector_store %arg8[%swap3A, %swap3A_66], %add3A_65 {strides = array<i32>} : memref<2048x128xf32, #tpu.memory_space<vmem>>, vector<2048x1xf32>,
      %swap3A_68 = arith.constant 0 : index
      %swap3A_69 = arith.constant 0 : index
      %swap3A_70 = vector.load %arg7[%swap3A_68, %swap3A_69] : memref<2048x128xf32, #tpu.memory_space<vmem>>, vector<2048x1xf32>
      tpu.vector_store %arg7[%swap3A_68, %swap3A_69], %max3A {strides = array<i32>} : memref<2048x128xf32, #tpu.memory_space<vmem>>, vector<2048x1xf32>,
      %get3A_71 = arith.constant 0 : index
      %get3A_72 = arith.constant 0 : index
      %get3A_73 = vector.load %arg9[%get3A_71, %get3A_72] : memref<2048x48xf32, #tpu.memory_space<vmem>>, vector<2048x48xf32>
      %mul3A_74 = vector.broadcast %exp23A : vector<2048x1xf32> to vector<2048x48xf32>
      %mul3A_75 = arith.mulf %get3A_73, %mul3A_74 : vector<2048x48xf32>
      %convert_element_type3A_76 = arith.truncf %exp23A_58 : vector<2048x512xf32> to vector<2048x512xbf16>
      %get3A_77 = arith.constant 0 : index
      %get3A_78 = arith.constant 0 : index
      %get3A_79 = arith.constant 0 : index
      %get3A_80 = arith.constant 0 : index
      %get3A_81 = vector.load %arg5[%get3A_77, %get3A_78, %get3A_79, %get3A_80] : memref<1x1x512x48xbf16, #tpu.memory_space<vmem>>, vector<1x1x512x48xbf16>
      %get3A_82 = vector.shape_cast %get3A_81 : vector<1x1x512x48xbf16> to vector<512x48xbf16>
      %dot_general3A_83 = arith.constant dense<0.000000e+00> : vector<2048x48xf32>
      %dot_general3A_84 = tpu.matmul %convert_element_type3A_76, %get3A_82, %dot_general3A_83 {dimension_numbers = #tpu.dot_dimension_numbers<[1], [0], [0], [1], [0, 0, 1, 1], [], []>, transpose_lhs_hint = false} : vector<2048x512xbf16>, vector<512x48xbf16>, vector<2048x48xf32> -> vector<2048x48xf32>
      %add3A_85 = arith.addf %mul3A_75, %dot_general3A_84 : vector<2048x48xf32>
      %swap3A_86 = arith.constant 0 : index
      %swap3A_87 = arith.constant 0 : index
      %swap3A_88 = vector.load %arg9[%swap3A_86, %swap3A_87] : memref<2048x48xf32, #tpu.memory_space<vmem>>, vector<2048x48xf32>
      tpu.vector_store %arg9[%swap3A_86, %swap3A_87], %add3A_85 {strides = array<i32>} : memref<2048x48xf32, #tpu.memory_space<vmem>>, vector<2048x48xf32>,
    } else {
    }
    %eq3A_35 = arith.cmpi eq, %sub3A_28, %add3A_9 : i32
    %convert_element_type3A_36 = arith.extui %eq3A_35 : i1 to i32
    %cond3A_37 = arith.constant 0 : i32
    %cond3A_38 = arith.cmpi ne, %convert_element_type3A_36, %cond3A_37 : i32
    scf.if %cond3A_38 {
      %get3A = arith.constant 0 : index
      %get3A_39 = arith.constant 0 : index
      %get3A_40 = arith.constant 0 : index
      %get3A_41 = arith.constant 0 : index
      %get3A_42 = vector.load %arg3[%get3A, %get3A_39, %get3A_40, %get3A_41] : memref<1x4x512x48xbf16, #tpu.memory_space<vmem>>, vector<1x4x512x48xbf16>
      %get3A_43 = vector.shape_cast %get3A_42 : vector<1x4x512x48xbf16> to vector<4x512x48xbf16>
      %reshape3A = vector.shape_cast %get3A_43 : vector<4x512x48xbf16> to vector<2048x48xbf16>
      %get3A_44 = arith.constant 0 : index
      %get3A_45 = arith.constant 0 : index
      %get3A_46 = arith.constant 0 : index
      %get3A_47 = arith.constant 0 : index
      %get3A_48 = vector.load %arg4[%get3A_44, %get3A_45, %get3A_46, %get3A_47] : memref<1x1x512x48xbf16, #tpu.memory_space<vmem>>, vector<1x1x512x48xbf16>
      %get3A_49 = vector.shape_cast %get3A_48 : vector<1x1x512x48xbf16> to vector<512x48xbf16>
      %dot_general3A = arith.constant dense<0.000000e+00> : vector<2048x512xf32>
      %dot_general3A_50 = tpu.matmul %reshape3A, %get3A_49, %dot_general3A {dimension_numbers = #tpu.dot_dimension_numbers<[1], [1], [0], [0], [0, 0, 1, 0], [], []>, transpose_lhs_hint = false} : vector<2048x48xbf16>, vector<512x48xbf16>, vector<2048x512xf32> -> vector<2048x512xf32>
      %iota3A = tpu.iota {dimensions = array<i32: 0>} : vector<2048x512xi32>
      %iota3A_51 = tpu.iota {dimensions = array<i32: 1>} : vector<2048x512xi32>
      %jit3A_52 = arith.constant 512 : i32
      %eq3A_53 = arith.constant 0 : i32
      %eq3A_54 = arith.cmpi eq, %jit3A_52, %eq3A_53 : i32
      %jit3A_55 = arith.constant 1 : i32
      %select_n3A_56 = arith.select %eq3A_54, %jit3A_55, %jit3A_52 : i32
      %rem3A_57 = vector.broadcast %select_n3A_56 : i32 to vector<2048x512xi32>
      %rem3A_58 = arith.remsi %iota3A, %rem3A_57 : vector<2048x512xi32>
      %ne3A_59 = arith.constant 0 : i32
      %ne3A_60 = vector.broadcast %ne3A_59 : i32 to vector<2048x512xi32>
      %ne3A_61 = arith.cmpi ne, %rem3A_58, %ne3A_60 : vector<2048x512xi32>
      %lt3A_62 = arith.constant 0 : i32
      %lt3A_63 = vector.broadcast %lt3A_62 : i32 to vector<2048x512xi32>
      %lt3A_64 = arith.cmpi slt, %rem3A_58, %lt3A_63 : vector<2048x512xi32>
      %lt3A_65 = arith.constant 0 : i32
      %lt3A_66 = arith.cmpi slt, %select_n3A_56, %lt3A_65 : i32
      %ne3A_67 = vector.broadcast %lt3A_66 : i1 to vector<2048x512xi1>
      %ne3A_68 = vector.broadcast %ne3A_67 : vector<2048x512xi1> to vector<2048x512xi1>
      %ne3A_69 = arith.xori %lt3A_64, %ne3A_68 : vector<2048x512xi1>
      %and3A_70 = arith.andi %ne3A_69, %ne3A_61 : vector<2048x512xi1>
      %add3A_71 = vector.broadcast %select_n3A_56 : i32 to vector<2048x512xi32>
      %add3A_72 = arith.addi %rem3A_58, %add3A_71 : vector<2048x512xi32>
      %select_n3A_73 = arith.select %and3A_70, %add3A_72, %rem3A_58 : vector<2048x512xi1>, vector<2048x512xi32>
      %le3A = arith.cmpi sle, %iota3A_51, %select_n3A_73 : vector<2048x512xi32>
      %jit3A_74 = arith.constant -1.000000e+30 : f32
      %broadcast_in_dim3A = vector.broadcast %jit3A_74 : f32 to vector<2048x512xf32>
      %select_n3A_75 = arith.select %le3A, %dot_general3A_50, %broadcast_in_dim3A : vector<2048x512xi1>, vector<2048x512xf32>
      %get3A_76 = arith.constant 0 : index
      %get3A_77 = arith.constant 0 : index
      %get3A_78 = vector.load %arg7[%get3A_76, %get3A_77] : memref<2048x128xf32, #tpu.memory_space<vmem>>, vector<2048x1xf32>
      %reduce_max3A = arith.constant dense<0xFF800000> : vector<2048xf32>
      %reduce_max3A_79 = vector.multi_reduction <maximumf>, %select_n3A_75, %reduce_max3A [1] : vector<2048x512xf32> to vector<2048xf32>
      %broadcast_in_dim3A_80 = vector.shape_cast %reduce_max3A_79 : vector<2048xf32> to vector<2048x1xf32>
      %max3A = arith.maximumf %get3A_78, %broadcast_in_dim3A_80 : vector<2048x1xf32>
      %sub3A_81 = arith.subf %get3A_78, %max3A : vector<2048x1xf32>
      %exp23A = math.exp2 %sub3A_81 : vector<2048x1xf32>
      %sub3A_82 = vector.broadcast %max3A : vector<2048x1xf32> to vector<2048x512xf32>
      %sub3A_83 = arith.subf %select_n3A_75, %sub3A_82 : vector<2048x512xf32>
      %exp23A_84 = math.exp2 %sub3A_83 : vector<2048x512xf32>
      %get3A_85 = arith.constant 0 : index
      %get3A_86 = arith.constant 0 : index
      %get3A_87 = vector.load %arg8[%get3A_85, %get3A_86] : memref<2048x128xf32, #tpu.memory_space<vmem>>, vector<2048x1xf32>
      %mul3A_88 = arith.mulf %get3A_87, %exp23A : vector<2048x1xf32>
      %reduce_sum3A = arith.constant dense<0.000000e+00> : vector<2048xf32>
      %reduce_sum3A_89 = vector.multi_reduction <add>, %exp23A_84, %reduce_sum3A [1] : vector<2048x512xf32> to vector<2048xf32>
      %broadcast_in_dim3A_90 = vector.shape_cast %reduce_sum3A_89 : vector<2048xf32> to vector<2048x1xf32>
      %add3A_91 = arith.addf %mul3A_88, %broadcast_in_dim3A_90 : vector<2048x1xf32>
      %swap3A = arith.constant 0 : index
      %swap3A_92 = arith.constant 0 : index
      %swap3A_93 = vector.load %arg8[%swap3A, %swap3A_92] : memref<2048x128xf32, #tpu.memory_space<vmem>>, vector<2048x1xf32>
      tpu.vector_store %arg8[%swap3A, %swap3A_92], %add3A_91 {strides = array<i32>} : memref<2048x128xf32, #tpu.memory_space<vmem>>, vector<2048x1xf32>,
      %swap3A_94 = arith.constant 0 : index
      %swap3A_95 = arith.constant 0 : index
      %swap3A_96 = vector.load %arg7[%swap3A_94, %swap3A_95] : memref<2048x128xf32, #tpu.memory_space<vmem>>, vector<2048x1xf32>
      tpu.vector_store %arg7[%swap3A_94, %swap3A_95], %max3A {strides = array<i32>} : memref<2048x128xf32, #tpu.memory_space<vmem>>, vector<2048x1xf32>,
      %get3A_97 = arith.constant 0 : index
      %get3A_98 = arith.constant 0 : index
      %get3A_99 = vector.load %arg9[%get3A_97, %get3A_98] : memref<2048x48xf32, #tpu.memory_space<vmem>>, vector<2048x48xf32>
      %mul3A_100 = vector.broadcast %exp23A : vector<2048x1xf32> to vector<2048x48xf32>
      %mul3A_101 = arith.mulf %get3A_99, %mul3A_100 : vector<2048x48xf32>
      %convert_element_type3A_102 = arith.truncf %exp23A_84 : vector<2048x512xf32> to vector<2048x512xbf16>
      %get3A_103 = arith.constant 0 : index
      %get3A_104 = arith.constant 0 : index
      %get3A_105 = arith.constant 0 : index
      %get3A_106 = arith.constant 0 : index
      %get3A_107 = vector.load %arg5[%get3A_103, %get3A_104, %get3A_105, %get3A_106] : memref<1x1x512x48xbf16, #tpu.memory_space<vmem>>, vector<1x1x512x48xbf16>
      %get3A_108 = vector.shape_cast %get3A_107 : vector<1x1x512x48xbf16> to vector<512x48xbf16>
      %dot_general3A_109 = arith.constant dense<0.000000e+00> : vector<2048x48xf32>
      %dot_general3A_110 = tpu.matmul %convert_element_type3A_102, %get3A_108, %dot_general3A_109 {dimension_numbers = #tpu.dot_dimension_numbers<[1], [0], [0], [1], [0, 0, 1, 1], [], []>, transpose_lhs_hint = false} : vector<2048x512xbf16>, vector<512x48xbf16>, vector<2048x48xf32> -> vector<2048x48xf32>
      %add3A_111 = arith.addf %mul3A_101, %dot_general3A_110 : vector<2048x48xf32>
      %swap3A_112 = arith.constant 0 : index
      %swap3A_113 = arith.constant 0 : index
      %swap3A_114 = vector.load %arg9[%swap3A_112, %swap3A_113] : memref<2048x48xf32, #tpu.memory_space<vmem>>, vector<2048x48xf32>
      tpu.vector_store %arg9[%swap3A_112, %swap3A_113], %add3A_111 {strides = array<i32>} : memref<2048x48xf32, #tpu.memory_space<vmem>>, vector<2048x48xf32>,
      %get3A_115 = arith.constant 0 : index
      %get3A_116 = arith.constant 0 : index
      %get3A_117 = vector.load %arg9[%get3A_115, %get3A_116] : memref<2048x48xf32, #tpu.memory_space<vmem>>, vector<2048x48xf32>
      %get3A_118 = arith.constant 0 : index
      %get3A_119 = arith.constant 0 : index
      %get3A_120 = vector.load %arg8[%get3A_118, %get3A_119] : memref<2048x128xf32, #tpu.memory_space<vmem>>, vector<2048x1xf32>
      %div3A_121 = vector.broadcast %get3A_120 : vector<2048x1xf32> to vector<2048x48xf32>
      %div3A_122 = arith.divf %get3A_117, %div3A_121 : vector<2048x48xf32>
      %convert_element_type3A_123 = arith.truncf %div3A_122 : vector<2048x48xf32> to vector<2048x48xbf16>
      %reshape3A_124 = vector.shape_cast %convert_element_type3A_123 : vector<2048x48xbf16> to vector<4x512x48xbf16>
      %swap3A_125 = arith.constant 0 : index
      %swap3A_126 = arith.constant 0 : index
      %swap3A_127 = arith.constant 0 : index
      %swap3A_128 = arith.constant 0 : index
      %swap3A_129 = vector.load %arg6[%swap3A_125, %swap3A_126, %swap3A_127, %swap3A_128] : memref<1x4x512x48xbf16, #tpu.memory_space<vmem>>, vector<1x4x512x48xbf16>
      %swap3A_130 = vector.shape_cast %swap3A_129 : vector<1x4x512x48xbf16> to vector<4x512x48xbf16>
      %swap3A_131 = vector.shape_cast %reshape3A_124 : vector<4x512x48xbf16> to vector<1x4x512x48xbf16>
      tpu.vector_store %arg6[%swap3A_125, %swap3A_126, %swap3A_127, %swap3A_128], %swap3A_131 {strides = array<i32>} : memref<1x4x512x48xbf16, #tpu.memory_space<vmem>>, vector<1x4x512x48xbf16>,
    } else {
    }
    return
  }
  func.func @transform_0(%arg0: i32, %arg1: i32, %arg2: i32) -> (i32, i32, i32, i32) {
    %ge3A = arith.constant 1 : i32
    %ge3A_0 = arith.cmpi sge, %arg2, %ge3A : i32
    %convert_element_type3A = arith.extui %ge3A_0 : i1 to i32
    %add3A = arith.constant 0 : i32
    %add3A_1 = arith.addi %add3A, %convert_element_type3A : i32
    %ge3A_2 = arith.constant 3 : i32
    %ge3A_3 = arith.cmpi sge, %arg2, %ge3A_2 : i32
    %convert_element_type3A_4 = arith.extui %ge3A_3 : i1 to i32
    %add3A_5 = arith.addi %add3A_1, %convert_element_type3A_4 : i32
    %ge3A_6 = arith.constant 6 : i32
    %ge3A_7 = arith.cmpi sge, %arg2, %ge3A_6 : i32
    %convert_element_type3A_8 = arith.extui %ge3A_7 : i1 to i32
    %add3A_9 = arith.addi %add3A_5, %convert_element_type3A_8 : i32
    %add3A_10 = arith.constant 1 : i32
    %add3A_11 = arith.addi %add3A_9, %add3A_10 : i32
    %mul3A = arith.muli %add3A_9, %add3A_11 : i32
    %jit3A = arith.constant 2 : i32
    %div3A = arith.divsi %mul3A, %jit3A : i32
    %sign3A = arith.constant 0 : i32
    %sign3A_12 = arith.cmpi sgt, %mul3A, %sign3A : i32
    %sign3A_13 = arith.extui %sign3A_12 : i1 to i32
    %sign3A_14 = arith.constant 0 : i32
    %sign3A_15 = arith.cmpi slt, %mul3A, %sign3A_14 : i32
    %sign3A_16 = arith.extui %sign3A_15 : i1 to i32
    %sign3A_17 = arith.subi %sign3A_13, %sign3A_16 : i32
    %sign3A_18 = arith.constant 0 : i32
    %sign3A_19 = arith.cmpi sgt, %jit3A, %sign3A_18 : i32
    %sign3A_20 = arith.extui %sign3A_19 : i1 to i32
    %sign3A_21 = arith.constant 0 : i32
    %sign3A_22 = arith.cmpi slt, %jit3A, %sign3A_21 : i32
    %sign3A_23 = arith.extui %sign3A_22 : i1 to i32
    %sign3A_24 = arith.subi %sign3A_20, %sign3A_23 : i32
    %ne3A = arith.cmpi ne, %sign3A_17, %sign3A_24 : i32
    %rem3A = arith.remsi %mul3A, %jit3A : i32
    %ne3A_25 = arith.constant 0 : i32
    %ne3A_26 = arith.cmpi ne, %rem3A, %ne3A_25 : i32
    %and3A = arith.andi %ne3A, %ne3A_26 : i1
    %sub3A = arith.constant 1 : i32
    %sub3A_27 = arith.subi %div3A, %sub3A : i32
    %select_n3A = arith.select %and3A, %sub3A_27, %div3A : i32
    %sub3A_28 = arith.subi %arg2, %select_n3A : i32
    %c0_i32 = arith.constant 0 : i32
    %c0_i32_29 = arith.constant 0 : i32
    return %arg0, %arg1, %add3A_9, %c0_i32 : i32, i32, i32, i32
  }
  func.func @transform_1(%arg0: i32, %arg1: i32, %arg2: i32) -> (i32, i32, i32, i32) {
    %ge3A = arith.constant 1 : i32
    %ge3A_0 = arith.cmpi sge, %arg2, %ge3A : i32
    %convert_element_type3A = arith.extui %ge3A_0 : i1 to i32
    %add3A = arith.constant 0 : i32
    %add3A_1 = arith.addi %add3A, %convert_element_type3A : i32
    %ge3A_2 = arith.constant 3 : i32
    %ge3A_3 = arith.cmpi sge, %arg2, %ge3A_2 : i32
    %convert_element_type3A_4 = arith.extui %ge3A_3 : i1 to i32
    %add3A_5 = arith.addi %add3A_1, %convert_element_type3A_4 : i32
    %ge3A_6 = arith.constant 6 : i32
    %ge3A_7 = arith.cmpi sge, %arg2, %ge3A_6 : i32
    %convert_element_type3A_8 = arith.extui %ge3A_7 : i1 to i32
    %add3A_9 = arith.addi %add3A_5, %convert_element_type3A_8 : i32
    %add3A_10 = arith.constant 1 : i32
    %add3A_11 = arith.addi %add3A_9, %add3A_10 : i32
    %mul3A = arith.muli %add3A_9, %add3A_11 : i32
    %jit3A = arith.constant 2 : i32
    %div3A = arith.divsi %mul3A, %jit3A : i32
    %sign3A = arith.constant 0 : i32
    %sign3A_12 = arith.cmpi sgt, %mul3A, %sign3A : i32
    %sign3A_13 = arith.extui %sign3A_12 : i1 to i32
    %sign3A_14 = arith.constant 0 : i32
    %sign3A_15 = arith.cmpi slt, %mul3A, %sign3A_14 : i32
    %sign3A_16 = arith.extui %sign3A_15 : i1 to i32
    %sign3A_17 = arith.subi %sign3A_13, %sign3A_16 : i32
    %sign3A_18 = arith.constant 0 : i32
    %sign3A_19 = arith.cmpi sgt, %jit3A, %sign3A_18 : i32
    %sign3A_20 = arith.extui %sign3A_19 : i1 to i32
    %sign3A_21 = arith.constant 0 : i32
    %sign3A_22 = arith.cmpi slt, %jit3A, %sign3A_21 : i32
    %sign3A_23 = arith.extui %sign3A_22 : i1 to i32
    %sign3A_24 = arith.subi %sign3A_20, %sign3A_23 : i32
    %ne3A = arith.cmpi ne, %sign3A_17, %sign3A_24 : i32
    %rem3A = arith.remsi %mul3A, %jit3A : i32
    %ne3A_25 = arith.constant 0 : i32
    %ne3A_26 = arith.cmpi ne, %rem3A, %ne3A_25 : i32
    %and3A = arith.andi %ne3A, %ne3A_26 : i1
    %sub3A = arith.constant 1 : i32
    %sub3A_27 = arith.subi %div3A, %sub3A : i32
    %select_n3A = arith.select %and3A, %sub3A_27, %div3A : i32
    %sub3A_28 = arith.subi %arg2, %select_n3A : i32
    %add3A_29 = arith.constant 8 : i32
    %add3A_30 = arith.addi %add3A_29, %arg1 : i32
    %c0_i32 = arith.constant 0 : i32
    %c0_i32_31 = arith.constant 0 : i32
    return %arg0, %add3A_30, %sub3A_28, %c0_i32 : i32, i32, i32, i32
  }
  func.func @transform_2(%arg0: i32, %arg1: i32, %arg2: i32) -> (i32, i32, i32, i32) {
    %ge3A = arith.constant 1 : i32
    %ge3A_0 = arith.cmpi sge, %arg2, %ge3A : i32
    %convert_element_type3A = arith.extui %ge3A_0 : i1 to i32
    %add3A = arith.constant 0 : i32
    %add3A_1 = arith.addi %add3A, %convert_element_type3A : i32
    %ge3A_2 = arith.constant 3 : i32
    %ge3A_3 = arith.cmpi sge, %arg2, %ge3A_2 : i32
    %convert_element_type3A_4 = arith.extui %ge3A_3 : i1 to i32
    %add3A_5 = arith.addi %add3A_1, %convert_element_type3A_4 : i32
    %ge3A_6 = arith.constant 6 : i32
    %ge3A_7 = arith.cmpi sge, %arg2, %ge3A_6 : i32
    %convert_element_type3A_8 = arith.extui %ge3A_7 : i1 to i32
    %add3A_9 = arith.addi %add3A_5, %convert_element_type3A_8 : i32
    %add3A_10 = arith.constant 1 : i32
    %add3A_11 = arith.addi %add3A_9, %add3A_10 : i32
    %mul3A = arith.muli %add3A_9, %add3A_11 : i32
    %jit3A = arith.constant 2 : i32
    %div3A = arith.divsi %mul3A, %jit3A : i32
    %sign3A = arith.constant 0 : i32
    %sign3A_12 = arith.cmpi sgt, %mul3A, %sign3A : i32
    %sign3A_13 = arith.extui %sign3A_12 : i1 to i32
    %sign3A_14 = arith.constant 0 : i32
    %sign3A_15 = arith.cmpi slt, %mul3A, %sign3A_14 : i32
    %sign3A_16 = arith.extui %sign3A_15 : i1 to i32
    %sign3A_17 = arith.subi %sign3A_13, %sign3A_16 : i32
    %sign3A_18 = arith.constant 0 : i32
    %sign3A_19 = arith.cmpi sgt, %jit3A, %sign3A_18 : i32
    %sign3A_20 = arith.extui %sign3A_19 : i1 to i32
    %sign3A_21 = arith.constant 0 : i32
    %sign3A_22 = arith.cmpi slt, %jit3A, %sign3A_21 : i32
    %sign3A_23 = arith.extui %sign3A_22 : i1 to i32
    %sign3A_24 = arith.subi %sign3A_20, %sign3A_23 : i32
    %ne3A = arith.cmpi ne, %sign3A_17, %sign3A_24 : i32
    %rem3A = arith.remsi %mul3A, %jit3A : i32
    %ne3A_25 = arith.constant 0 : i32
    %ne3A_26 = arith.cmpi ne, %rem3A, %ne3A_25 : i32
    %and3A = arith.andi %ne3A, %ne3A_26 : i1
    %sub3A = arith.constant 1 : i32
    %sub3A_27 = arith.subi %div3A, %sub3A : i32
    %select_n3A = arith.select %and3A, %sub3A_27, %div3A : i32
    %sub3A_28 = arith.subi %arg2, %select_n3A : i32
    %add3A_29 = arith.constant 10 : i32
    %add3A_30 = arith.addi %add3A_29, %arg1 : i32
    %c0_i32 = arith.constant 0 : i32
    %c0_i32_31 = arith.constant 0 : i32
    return %arg0, %add3A_30, %sub3A_28, %c0_i32 : i32, i32, i32, i32
  }
  func.func @transform_3(%arg0: i32, %arg1: i32, %arg2: i32) -> (i32, i32, i32, i32) {
    %ge3A = arith.constant 1 : i32
    %ge3A_0 = arith.cmpi sge, %arg2, %ge3A : i32
    %convert_element_type3A = arith.extui %ge3A_0 : i1 to i32
    %add3A = arith.constant 0 : i32
    %add3A_1 = arith.addi %add3A, %convert_element_type3A : i32
    %ge3A_2 = arith.constant 3 : i32
    %ge3A_3 = arith.cmpi sge, %arg2, %ge3A_2 : i32
    %convert_element_type3A_4 = arith.extui %ge3A_3 : i1 to i32
    %add3A_5 = arith.addi %add3A_1, %convert_element_type3A_4 : i32
    %ge3A_6 = arith.constant 6 : i32
    %ge3A_7 = arith.cmpi sge, %arg2, %ge3A_6 : i32
    %convert_element_type3A_8 = arith.extui %ge3A_7 : i1 to i32
    %add3A_9 = arith.addi %add3A_5, %convert_element_type3A_8 : i32
    %add3A_10 = arith.constant 1 : i32
    %add3A_11 = arith.addi %add3A_9, %add3A_10 : i32
    %mul3A = arith.muli %add3A_9, %add3A_11 : i32
    %jit3A = arith.constant 2 : i32
    %div3A = arith.divsi %mul3A, %jit3A : i32
    %sign3A = arith.constant 0 : i32
    %sign3A_12 = arith.cmpi sgt, %mul3A, %sign3A : i32
    %sign3A_13 = arith.extui %sign3A_12 : i1 to i32
    %sign3A_14 = arith.constant 0 : i32
    %sign3A_15 = arith.cmpi slt, %mul3A, %sign3A_14 : i32
    %sign3A_16 = arith.extui %sign3A_15 : i1 to i32
    %sign3A_17 = arith.subi %sign3A_13, %sign3A_16 : i32
    %sign3A_18 = arith.constant 0 : i32
    %sign3A_19 = arith.cmpi sgt, %jit3A, %sign3A_18 : i32
    %sign3A_20 = arith.extui %sign3A_19 : i1 to i32
    %sign3A_21 = arith.constant 0 : i32
    %sign3A_22 = arith.cmpi slt, %jit3A, %sign3A_21 : i32
    %sign3A_23 = arith.extui %sign3A_22 : i1 to i32
    %sign3A_24 = arith.subi %sign3A_20, %sign3A_23 : i32
    %ne3A = arith.cmpi ne, %sign3A_17, %sign3A_24 : i32
    %rem3A = arith.remsi %mul3A, %jit3A : i32
    %ne3A_25 = arith.constant 0 : i32
    %ne3A_26 = arith.cmpi ne, %rem3A, %ne3A_25 : i32
    %and3A = arith.andi %ne3A, %ne3A_26 : i1
    %sub3A = arith.constant 1 : i32
    %sub3A_27 = arith.subi %div3A, %sub3A : i32
    %select_n3A = arith.select %and3A, %sub3A_27, %div3A : i32
    %sub3A_28 = arith.subi %arg2, %select_n3A : i32
    %c0_i32 = arith.constant 0 : i32
    %c0_i32_29 = arith.constant 0 : i32
    return %arg0, %arg1, %add3A_9, %c0_i32 : i32, i32, i32, i32
  }
}

module attributes {stable_mosaic.version = 14 : i64} {
  func.func @_oproj_router_body(%arg0: i32, %arg1: memref<1x8x512x48xbf16, #tpu.memory_space<vmem>>, %arg2: memref<512x384xf32, #tpu.memory_space<vmem>>, %arg3: memref<384x384xf32, #tpu.memory_space<vmem>>, %arg4: memref<1x384xf32, #tpu.memory_space<vmem>>, %arg5: memref<1x384xf32, #tpu.memory_space<vmem>>, %arg6: memref<4x384xf32, #tpu.memory_space<vmem>>, %arg7: memref<1x4xf32, #tpu.memory_space<vmem>>, %arg8: memref<512x384xf32, #tpu.memory_space<vmem>>, %arg9: memref<512x384xf32, #tpu.memory_space<vmem>>, %arg10: memref<512x1xi32, #tpu.memory_space<vmem>>, %arg11: memref<512x1xf32, #tpu.memory_space<vmem>>, %arg12: memref<1x1xf32, #tpu.memory_space<vmem>>, %arg13: memref<1x128xf32, #tpu.memory_space<vmem>>, %arg14: memref<1x128xf32, #tpu.memory_space<vmem>>, %arg15: memref<1x128xf32, #tpu.memory_space<vmem>>) attributes {dimension_semantics = [#tpu.dimension_semantics<arbitrary>], iteration_bounds = array<i64: 8>, scalar_prefetch = 0 : i64, scratch_operands = 3 : i64, tpu.core_type = #tpu.core_type<tc>, window_params = [{transform_indices = @transform_0, window_bounds = array<i64: 1, 8, 512, 48>}, {transform_indices = @transform_1, window_bounds = array<i64: 512, 384>}, {pipeline_mode = #tpu.pipeline_mode<synchronous>, transform_indices = @transform_2, window_bounds = array<i64: 384, 384>}, {pipeline_mode = #tpu.pipeline_mode<synchronous>, transform_indices = @transform_3, window_bounds = array<i64: 1, 384>}, {pipeline_mode = #tpu.pipeline_mode<synchronous>, transform_indices = @transform_4, window_bounds = array<i64: 1, 384>}, {pipeline_mode = #tpu.pipeline_mode<synchronous>, transform_indices = @transform_5, window_bounds = array<i64: 4, 384>}, {pipeline_mode = #tpu.pipeline_mode<synchronous>, transform_indices = @transform_6, window_bounds = array<i64: 1, 4>}, {transform_indices = @transform_7, window_bounds = array<i64: 512, 384>}, {transform_indices = @transform_8, window_bounds = array<i64: 512, 384>}, {transform_indices = @transform_9, window_bounds = array<i64: 512, 1>}, {transform_indices = @transform_10, window_bounds = array<i64: 512, 1>}, {pipeline_mode = #tpu.pipeline_mode<synchronous>, transform_indices = @transform_11, window_bounds = array<i64: 1, 1>}]} {
    %eq3A = arith.constant 0 : i32
    %eq3A_0 = arith.cmpi eq, %arg0, %eq3A : i32
    %convert_element_type3A = arith.extui %eq3A_0 : i1 to i32
    %cond3A = arith.constant 0 : i32
    %cond3A_1 = arith.cmpi ne, %convert_element_type3A, %cond3A : i32
    scf.if %cond3A_1 {
      %broadcast_in_dim3A_230 = arith.constant 0.000000e+00 : f32
      %broadcast_in_dim3A_231 = vector.broadcast %broadcast_in_dim3A_230 : f32 to vector<1x128xf32>
      %swap3A_232 = arith.constant 0 : index
      %swap3A_233 = arith.constant 0 : index
      %swap3A_234 = vector.load %arg13[%swap3A_232, %swap3A_233] : memref<1x128xf32, #tpu.memory_space<vmem>>, vector<1x128xf32>
      tpu.vector_store %arg13[%swap3A_232, %swap3A_233], %broadcast_in_dim3A_231 {strides = array<i32>} : memref<1x128xf32, #tpu.memory_space<vmem>>, vector<1x128xf32>,
      %broadcast_in_dim3A_235 = arith.constant 0.000000e+00 : f32
      %broadcast_in_dim3A_236 = vector.broadcast %broadcast_in_dim3A_235 : f32 to vector<1x128xf32>
      %swap3A_237 = arith.constant 0 : index
      %swap3A_238 = arith.constant 0 : index
      %swap3A_239 = vector.load %arg14[%swap3A_237, %swap3A_238] : memref<1x128xf32, #tpu.memory_space<vmem>>, vector<1x128xf32>
      tpu.vector_store %arg14[%swap3A_237, %swap3A_238], %broadcast_in_dim3A_236 {strides = array<i32>} : memref<1x128xf32, #tpu.memory_space<vmem>>, vector<1x128xf32>,
      %broadcast_in_dim3A_240 = arith.constant 0.000000e+00 : f32
      %broadcast_in_dim3A_241 = vector.broadcast %broadcast_in_dim3A_240 : f32 to vector<1x128xf32>
      %swap3A_242 = arith.constant 0 : index
      %swap3A_243 = arith.constant 0 : index
      %swap3A_244 = vector.load %arg15[%swap3A_242, %swap3A_243] : memref<1x128xf32, #tpu.memory_space<vmem>>, vector<1x128xf32>
      tpu.vector_store %arg15[%swap3A_242, %swap3A_243], %broadcast_in_dim3A_241 {strides = array<i32>} : memref<1x128xf32, #tpu.memory_space<vmem>>, vector<1x128xf32>,
    } else {
    }
    %get3A = arith.constant 0 : index
    %get3A_2 = arith.constant 0 : index
    %get3A_3 = arith.constant 0 : index
    %get3A_4 = arith.constant 0 : index
    %get3A_5 = vector.load %arg1[%get3A, %get3A_2, %get3A_3, %get3A_4] : memref<1x8x512x48xbf16, #tpu.memory_space<vmem>>, vector<1x1x512x48xbf16>
    %get3A_6 = vector.shape_cast %get3A_5 : vector<1x1x512x48xbf16> to vector<512x48xbf16>
    %get3A_7 = arith.constant 0 : index
    %get3A_8 = arith.constant 1 : index
    %get3A_9 = arith.constant 0 : index
    %get3A_10 = arith.constant 0 : index
    %get3A_11 = vector.load %arg1[%get3A_7, %get3A_8, %get3A_9, %get3A_10] : memref<1x8x512x48xbf16, #tpu.memory_space<vmem>>, vector<1x1x512x48xbf16>
    %get3A_12 = vector.shape_cast %get3A_11 : vector<1x1x512x48xbf16> to vector<512x48xbf16>
    %get3A_13 = arith.constant 0 : index
    %get3A_14 = arith.constant 2 : index
    %get3A_15 = arith.constant 0 : index
    %get3A_16 = arith.constant 0 : index
    %get3A_17 = vector.load %arg1[%get3A_13, %get3A_14, %get3A_15, %get3A_16] : memref<1x8x512x48xbf16, #tpu.memory_space<vmem>>, vector<1x1x512x48xbf16>
    %get3A_18 = vector.shape_cast %get3A_17 : vector<1x1x512x48xbf16> to vector<512x48xbf16>
    %get3A_19 = arith.constant 0 : index
    %get3A_20 = arith.constant 3 : index
    %get3A_21 = arith.constant 0 : index
    %get3A_22 = arith.constant 0 : index
    %get3A_23 = vector.load %arg1[%get3A_19, %get3A_20, %get3A_21, %get3A_22] : memref<1x8x512x48xbf16, #tpu.memory_space<vmem>>, vector<1x1x512x48xbf16>
    %get3A_24 = vector.shape_cast %get3A_23 : vector<1x1x512x48xbf16> to vector<512x48xbf16>
    %get3A_25 = arith.constant 0 : index
    %get3A_26 = arith.constant 4 : index
    %get3A_27 = arith.constant 0 : index
    %get3A_28 = arith.constant 0 : index
    %get3A_29 = vector.load %arg1[%get3A_25, %get3A_26, %get3A_27, %get3A_28] : memref<1x8x512x48xbf16, #tpu.memory_space<vmem>>, vector<1x1x512x48xbf16>
    %get3A_30 = vector.shape_cast %get3A_29 : vector<1x1x512x48xbf16> to vector<512x48xbf16>
    %get3A_31 = arith.constant 0 : index
    %get3A_32 = arith.constant 5 : index
    %get3A_33 = arith.constant 0 : index
    %get3A_34 = arith.constant 0 : index
    %get3A_35 = vector.load %arg1[%get3A_31, %get3A_32, %get3A_33, %get3A_34] : memref<1x8x512x48xbf16, #tpu.memory_space<vmem>>, vector<1x1x512x48xbf16>
    %get3A_36 = vector.shape_cast %get3A_35 : vector<1x1x512x48xbf16> to vector<512x48xbf16>
    %get3A_37 = arith.constant 0 : index
    %get3A_38 = arith.constant 6 : index
    %get3A_39 = arith.constant 0 : index
    %get3A_40 = arith.constant 0 : index
    %get3A_41 = vector.load %arg1[%get3A_37, %get3A_38, %get3A_39, %get3A_40] : memref<1x8x512x48xbf16, #tpu.memory_space<vmem>>, vector<1x1x512x48xbf16>
    %get3A_42 = vector.shape_cast %get3A_41 : vector<1x1x512x48xbf16> to vector<512x48xbf16>
    %get3A_43 = arith.constant 0 : index
    %get3A_44 = arith.constant 7 : index
    %get3A_45 = arith.constant 0 : index
    %get3A_46 = arith.constant 0 : index
    %get3A_47 = vector.load %arg1[%get3A_43, %get3A_44, %get3A_45, %get3A_46] : memref<1x8x512x48xbf16, #tpu.memory_space<vmem>>, vector<1x1x512x48xbf16>
    %get3A_48 = vector.shape_cast %get3A_47 : vector<1x1x512x48xbf16> to vector<512x48xbf16>
    %concatenate3A = tpu.concatenate %get3A_6, %get3A_12, %get3A_18, %get3A_24, %get3A_30, %get3A_36, %get3A_42, %get3A_48 in 1 : vector<512x48xbf16>, vector<512x48xbf16>, vector<512x48xbf16>, vector<512x48xbf16>, vector<512x48xbf16>, vector<512x48xbf16>, vector<512x48xbf16>, vector<512x48xbf16> -> vector<512x384xbf16>
    %get3A_49 = arith.constant 0 : index
    %get3A_50 = arith.constant 0 : index
    %get3A_51 = vector.load %arg3[%get3A_49, %get3A_50] : memref<384x384xf32, #tpu.memory_space<vmem>>, vector<384x384xf32>
    %convert_element_type3A_52 = arith.truncf %get3A_51 : vector<384x384xf32> to vector<384x384xbf16>
    %dot_general3A = arith.constant dense<0.000000e+00> : vector<512x384xf32>
    %dot_general3A_53 = tpu.matmul %concatenate3A, %convert_element_type3A_52, %dot_general3A {dimension_numbers = #tpu.dot_dimension_numbers<[1], [1], [0], [0], [0, 0, 1, 0], [], []>, transpose_lhs_hint = false} : vector<512x384xbf16>, vector<384x384xbf16>, vector<512x384xf32> -> vector<512x384xf32>
    %get3A_54 = arith.constant 0 : index
    %get3A_55 = arith.constant 0 : index
    %get3A_56 = vector.load %arg2[%get3A_54, %get3A_55] : memref<512x384xf32, #tpu.memory_space<vmem>>, vector<512x384xf32>
    %add3A = arith.addf %dot_general3A_53, %get3A_56 : vector<512x384xf32>
    %swap3A = arith.constant 0 : index
    %swap3A_57 = arith.constant 0 : index
    %swap3A_58 = vector.load %arg8[%swap3A, %swap3A_57] : memref<512x384xf32, #tpu.memory_space<vmem>>, vector<512x384xf32>
    tpu.vector_store %arg8[%swap3A, %swap3A_57], %add3A {strides = array<i32>} : memref<512x384xf32, #tpu.memory_space<vmem>>, vector<512x384xf32>,
    %reduce_sum3A = arith.constant dense<0.000000e+00> : vector<512xf32>
    %reduce_sum3A_59 = vector.multi_reduction <add>, %add3A, %reduce_sum3A [1] : vector<512x384xf32> to vector<512xf32>
    %broadcast_in_dim3A = vector.shape_cast %reduce_sum3A_59 : vector<512xf32> to vector<512x1xf32>
    %div3A = arith.constant 3.840000e+02 : f32
    %div3A_60 = vector.broadcast %div3A : f32 to vector<512x1xf32>
    %div3A_61 = arith.divf %broadcast_in_dim3A, %div3A_60 : vector<512x1xf32>
    %sub3A = vector.broadcast %div3A_61 : vector<512x1xf32> to vector<512x384xf32>
    %sub3A_62 = arith.subf %add3A, %sub3A : vector<512x384xf32>
    %integer_pow3A = arith.mulf %sub3A_62, %sub3A_62 : vector<512x384xf32>
    %reduce_sum3A_63 = arith.constant dense<0.000000e+00> : vector<512xf32>
    %reduce_sum3A_64 = vector.multi_reduction <add>, %integer_pow3A, %reduce_sum3A_63 [1] : vector<512x384xf32> to vector<512xf32>
    %broadcast_in_dim3A_65 = vector.shape_cast %reduce_sum3A_64 : vector<512xf32> to vector<512x1xf32>
    %div3A_66 = arith.constant 3.840000e+02 : f32
    %div3A_67 = vector.broadcast %div3A_66 : f32 to vector<512x1xf32>
    %div3A_68 = arith.divf %broadcast_in_dim3A_65, %div3A_67 : vector<512x1xf32>
    %sub3A_69 = vector.broadcast %div3A_61 : vector<512x1xf32> to vector<512x384xf32>
    %sub3A_70 = arith.subf %add3A, %sub3A_69 : vector<512x384xf32>
    %add3A_71 = arith.constant 9.99999974E-6 : f32
    %add3A_72 = vector.broadcast %add3A_71 : f32 to vector<512x1xf32>
    %add3A_73 = arith.addf %div3A_68, %add3A_72 : vector<512x1xf32>
    %sqrt3A = math.sqrt %add3A_73 : vector<512x1xf32>
    %div3A_74 = vector.broadcast %sqrt3A : vector<512x1xf32> to vector<512x384xf32>
    %div3A_75 = arith.divf %sub3A_70, %div3A_74 : vector<512x384xf32>
    %get3A_76 = arith.constant 0 : index
    %get3A_77 = arith.constant 0 : index
    %get3A_78 = vector.load %arg4[%get3A_76, %get3A_77] : memref<1x384xf32, #tpu.memory_space<vmem>>, vector<1x384xf32>
    %mul3A = vector.broadcast %get3A_78 : vector<1x384xf32> to vector<512x384xf32>
    %mul3A_79 = arith.mulf %div3A_75, %mul3A : vector<512x384xf32>
    %get3A_80 = arith.constant 0 : index
    %get3A_81 = arith.constant 0 : index
    %get3A_82 = vector.load %arg5[%get3A_80, %get3A_81] : memref<1x384xf32, #tpu.memory_space<vmem>>, vector<1x384xf32>
    %add3A_83 = vector.broadcast %get3A_82 : vector<1x384xf32> to vector<512x384xf32>
    %add3A_84 = arith.addf %mul3A_79, %add3A_83 : vector<512x384xf32>
    %swap3A_85 = arith.constant 0 : index
    %swap3A_86 = arith.constant 0 : index
    %swap3A_87 = vector.load %arg9[%swap3A_85, %swap3A_86] : memref<512x384xf32, #tpu.memory_space<vmem>>, vector<512x384xf32>
    tpu.vector_store %arg9[%swap3A_85, %swap3A_86], %add3A_84 {strides = array<i32>} : memref<512x384xf32, #tpu.memory_space<vmem>>, vector<512x384xf32>,
    %get3A_88 = arith.constant 0 : index
    %get3A_89 = arith.constant 0 : index
    %get3A_90 = vector.load %arg6[%get3A_88, %get3A_89] : memref<4x384xf32, #tpu.memory_space<vmem>>, vector<4x384xf32>
    %dot_general3A_91 = arith.constant dense<0.000000e+00> : vector<512x4xf32>
    %dot_general3A_92 = tpu.matmul %add3A_84, %get3A_90, %dot_general3A_91 {dimension_numbers = #tpu.dot_dimension_numbers<[1], [1], [0], [0], [0, 0, 1, 0], [], []>, transpose_lhs_hint = false} : vector<512x384xf32>, vector<4x384xf32>, vector<512x4xf32> -> vector<512x4xf32>
    %get3A_93 = arith.constant 0 : index
    %get3A_94 = arith.constant 0 : index
    %get3A_95 = vector.load %arg7[%get3A_93, %get3A_94] : memref<1x4xf32, #tpu.memory_space<vmem>>, vector<1x4xf32>
    %add3A_96 = vector.broadcast %get3A_95 : vector<1x4xf32> to vector<512x4xf32>
    %add3A_97 = arith.addf %dot_general3A_92, %add3A_96 : vector<512x4xf32>
    %reduce_max3A = arith.constant dense<0xFF800000> : vector<512xf32>
    %reduce_max3A_98 = vector.multi_reduction <maximumf>, %add3A_97, %reduce_max3A [1] : vector<512x4xf32> to vector<512xf32>
    %broadcast_in_dim3A_99 = vector.shape_cast %reduce_max3A_98 : vector<512xf32> to vector<512x1xf32>
    %sub3A_100 = vector.broadcast %broadcast_in_dim3A_99 : vector<512x1xf32> to vector<512x4xf32>
    %sub3A_101 = arith.subf %add3A_97, %sub3A_100 : vector<512x4xf32>
    %exp3A = math.exp %sub3A_101 : vector<512x4xf32>
    %reduce_sum3A_102 = arith.constant dense<0.000000e+00> : vector<512xf32>
    %reduce_sum3A_103 = vector.multi_reduction <add>, %exp3A, %reduce_sum3A_102 [1] : vector<512x4xf32> to vector<512xf32>
    %broadcast_in_dim3A_104 = vector.shape_cast %reduce_sum3A_103 : vector<512xf32> to vector<512x1xf32>
    %div3A_105 = vector.broadcast %broadcast_in_dim3A_104 : vector<512x1xf32> to vector<512x4xf32>
    %div3A_106 = arith.divf %exp3A, %div3A_105 : vector<512x4xf32>
    %reduce_max3A_107 = arith.constant dense<0xFF800000> : vector<512xf32>
    %reduce_max3A_108 = vector.multi_reduction <maximumf>, %div3A_106, %reduce_max3A_107 [1] : vector<512x4xf32> to vector<512xf32>
    %broadcast_in_dim3A_109 = vector.shape_cast %reduce_max3A_108 : vector<512xf32> to vector<512x1xf32>
    %iota3A = tpu.iota {dimensions = array<i32: 1>} : vector<512x4xi32>
    %ge3A = vector.broadcast %broadcast_in_dim3A_109 : vector<512x1xf32> to vector<512x4xf32>
    %ge3A_110 = arith.cmpf oge, %div3A_106, %ge3A : vector<512x4xf32>
    %jit3A = arith.constant 4 : i32
    %broadcast_in_dim3A_111 = vector.broadcast %jit3A : i32 to vector<512x4xi32>
    %select_n3A = arith.select %ge3A_110, %iota3A, %broadcast_in_dim3A_111 : vector<512x4xi1>, vector<512x4xi32>
    %reduce_min3A = arith.constant dense<2147483647> : vector<512xi32>
    %reduce_min3A_112 = vector.multi_reduction <minsi>, %select_n3A, %reduce_min3A [1] : vector<512x4xi32> to vector<512xi32>
    %broadcast_in_dim3A_113 = vector.shape_cast %reduce_min3A_112 : vector<512xi32> to vector<512x1xi32>
    %eq3A_114 = vector.broadcast %broadcast_in_dim3A_113 : vector<512x1xi32> to vector<512x4xi32>
    %eq3A_115 = arith.cmpi eq, %iota3A, %eq3A_114 : vector<512x4xi32>
    %convert_element_type3A_116 = arith.extui %eq3A_115 : vector<512x4xi1> to vector<512x4xi32>
    %convert_element_type3A_117 = arith.sitofp %convert_element_type3A_116 : vector<512x4xi32> to vector<512x4xf32>
    %iota3A_118 = tpu.iota {dimensions = array<i32: 0>} : vector<512x512xi32>
    %iota3A_119 = tpu.iota {dimensions = array<i32: 1>} : vector<512x512xi32>
    %ge3A_120 = arith.cmpi sge, %iota3A_118, %iota3A_119 : vector<512x512xi32>
    %convert_element_type3A_121 = arith.extui %ge3A_120 : vector<512x512xi1> to vector<512x512xi32>
    %convert_element_type3A_122 = arith.sitofp %convert_element_type3A_121 : vector<512x512xi32> to vector<512x512xf32>
    %dot_general3A_123 = arith.constant dense<0.000000e+00> : vector<512x4xf32>
    %dot_general3A_124 = tpu.matmul %convert_element_type3A_122, %convert_element_type3A_117, %dot_general3A_123 {dimension_numbers = #tpu.dot_dimension_numbers<[1], [0], [0], [1], [0, 0, 1, 1], [], []>, transpose_lhs_hint = false} : vector<512x512xf32>, vector<512x4xf32>, vector<512x4xf32> -> vector<512x4xf32>
    %sub3A_125 = arith.constant 1.000000e+00 : f32
    %sub3A_126 = vector.broadcast %sub3A_125 : f32 to vector<512x4xf32>
    %sub3A_127 = arith.subf %dot_general3A_124, %sub3A_126 : vector<512x4xf32>
    %get3A_128 = arith.constant 0 : index
    %get3A_129 = arith.constant 0 : index
    %get3A_130 = vector.load %arg13[%get3A_128, %get3A_129] : memref<1x128xf32, #tpu.memory_space<vmem>>, vector<1x4xf32>
    %add3A_131 = vector.broadcast %get3A_130 : vector<1x4xf32> to vector<512x4xf32>
    %add3A_132 = arith.addf %sub3A_127, %add3A_131 : vector<512x4xf32>
    %lt3A = arith.constant 1.280000e+03 : f32
    %lt3A_133 = vector.broadcast %lt3A : f32 to vector<512x4xf32>
    %lt3A_134 = arith.cmpf olt, %add3A_132, %lt3A_133 : vector<512x4xf32>
    %convert_element_type3A_135 = arith.extui %lt3A_134 : vector<512x4xi1> to vector<512x4xi32>
    %convert_element_type3A_136 = arith.sitofp %convert_element_type3A_135 : vector<512x4xi32> to vector<512x4xf32>
    %mul3A_137 = arith.mulf %convert_element_type3A_117, %convert_element_type3A_136 : vector<512x4xf32>
    %reduce_sum3A_138 = arith.constant dense<0.000000e+00> : vector<512xf32>
    %reduce_sum3A_139 = vector.multi_reduction <add>, %mul3A_137, %reduce_sum3A_138 [1] : vector<512x4xf32> to vector<512xf32>
    %broadcast_in_dim3A_140 = vector.shape_cast %reduce_sum3A_139 : vector<512xf32> to vector<512x1xf32>
    %mul3A_141 = arith.mulf %mul3A_137, %add3A_132 : vector<512x4xf32>
    %reduce_sum3A_142 = arith.constant dense<0.000000e+00> : vector<512xf32>
    %reduce_sum3A_143 = vector.multi_reduction <add>, %mul3A_141, %reduce_sum3A_142 [1] : vector<512x4xf32> to vector<512xf32>
    %broadcast_in_dim3A_144 = vector.shape_cast %reduce_sum3A_143 : vector<512xf32> to vector<512x1xf32>
    %mul3A_145 = arith.constant 512 : i32
    %mul3A_146 = arith.muli %arg0, %mul3A_145 : i32
    %iota3A_147 = tpu.iota {dimensions = array<i32: 0>} : vector<512x1xi32>
    %add3A_148 = vector.broadcast %mul3A_146 : i32 to vector<512x1xi32>
    %add3A_149 = arith.addi %add3A_148, %iota3A_147 : vector<512x1xi32>
    %mul3A_150 = arith.constant 1280 : i32
    %mul3A_151 = vector.broadcast %mul3A_150 : i32 to vector<512x1xi32>
    %mul3A_152 = arith.muli %broadcast_in_dim3A_113, %mul3A_151 : vector<512x1xi32>
    %convert_element_type3A_153 = arith.fptosi %broadcast_in_dim3A_144 : vector<512x1xf32> to vector<512x1xi32>
    %add3A_154 = arith.addi %mul3A_152, %convert_element_type3A_153 : vector<512x1xi32>
    %jit3A_155 = arith.constant 128 : i32
    %div3A_156 = vector.broadcast %jit3A_155 : i32 to vector<512x1xi32>
    %div3A_157 = arith.divsi %add3A_149, %div3A_156 : vector<512x1xi32>
    %sign3A = arith.constant 0 : i32
    %sign3A_158 = vector.broadcast %sign3A : i32 to vector<512x1xi32>
    %sign3A_159 = arith.cmpi sgt, %add3A_149, %sign3A_158 : vector<512x1xi32>
    %sign3A_160 = arith.extui %sign3A_159 : vector<512x1xi1> to vector<512x1xi32>
    %sign3A_161 = arith.constant 0 : i32
    %sign3A_162 = vector.broadcast %sign3A_161 : i32 to vector<512x1xi32>
    %sign3A_163 = arith.cmpi slt, %add3A_149, %sign3A_162 : vector<512x1xi32>
    %sign3A_164 = arith.extui %sign3A_163 : vector<512x1xi1> to vector<512x1xi32>
    %sign3A_165 = arith.subi %sign3A_160, %sign3A_164 : vector<512x1xi32>
    %sign3A_166 = arith.constant 0 : i32
    %sign3A_167 = arith.cmpi sgt, %jit3A_155, %sign3A_166 : i32
    %sign3A_168 = arith.extui %sign3A_167 : i1 to i32
    %sign3A_169 = arith.constant 0 : i32
    %sign3A_170 = arith.cmpi slt, %jit3A_155, %sign3A_169 : i32
    %sign3A_171 = arith.extui %sign3A_170 : i1 to i32
    %sign3A_172 = arith.subi %sign3A_168, %sign3A_171 : i32
    %ne3A = vector.broadcast %sign3A_172 : i32 to vector<512x1xi32>
    %ne3A_173 = arith.cmpi ne, %sign3A_165, %ne3A : vector<512x1xi32>
    %rem3A = vector.broadcast %jit3A_155 : i32 to vector<512x1xi32>
    %rem3A_174 = arith.remsi %add3A_149, %rem3A : vector<512x1xi32>
    %ne3A_175 = arith.constant 0 : i32
    %ne3A_176 = vector.broadcast %ne3A_175 : i32 to vector<512x1xi32>
    %ne3A_177 = arith.cmpi ne, %rem3A_174, %ne3A_176 : vector<512x1xi32>
    %and3A = arith.andi %ne3A_173, %ne3A_177 : vector<512x1xi1>
    %sub3A_178 = arith.constant 1 : i32
    %sub3A_179 = vector.broadcast %sub3A_178 : i32 to vector<512x1xi32>
    %sub3A_180 = arith.subi %div3A_157, %sub3A_179 : vector<512x1xi32>
    %select_n3A_181 = arith.select %and3A, %sub3A_180, %div3A_157 : vector<512x1xi1>, vector<512x1xi32>
    %add3A_182 = arith.constant 5120 : i32
    %add3A_183 = vector.broadcast %add3A_182 : i32 to vector<512x1xi32>
    %add3A_184 = arith.addi %add3A_183, %select_n3A_181 : vector<512x1xi32>
    %gt3A = arith.constant 0.000000e+00 : f32
    %gt3A_185 = vector.broadcast %gt3A : f32 to vector<512x1xf32>
    %gt3A_186 = arith.cmpf ogt, %broadcast_in_dim3A_140, %gt3A_185 : vector<512x1xf32>
    %select_n3A_187 = arith.select %gt3A_186, %add3A_154, %add3A_184 : vector<512x1xi1>, vector<512x1xi32>
    %swap3A_188 = arith.constant 0 : index
    %swap3A_189 = arith.constant 0 : index
    %swap3A_190 = vector.load %arg10[%swap3A_188, %swap3A_189] : memref<512x1xi32, #tpu.memory_space<vmem>>, vector<512x1xi32>
    tpu.vector_store %arg10[%swap3A_188, %swap3A_189], %select_n3A_187 {strides = array<i32>} : memref<512x1xi32, #tpu.memory_space<vmem>>, vector<512x1xi32>,
    %mul3A_191 = arith.mulf %broadcast_in_dim3A_109, %broadcast_in_dim3A_140 : vector<512x1xf32>
    %swap3A_192 = arith.constant 0 : index
    %swap3A_193 = arith.constant 0 : index
    %swap3A_194 = vector.load %arg11[%swap3A_192, %swap3A_193] : memref<512x1xf32, #tpu.memory_space<vmem>>, vector<512x1xf32>
    tpu.vector_store %arg11[%swap3A_192, %swap3A_193], %mul3A_191 {strides = array<i32>} : memref<512x1xf32, #tpu.memory_space<vmem>>, vector<512x1xf32>,
    %get3A_195 = arith.constant 0 : index
    %get3A_196 = arith.constant 0 : index
    %get3A_197 = vector.load %arg13[%get3A_195, %get3A_196] : memref<1x128xf32, #tpu.memory_space<vmem>>, vector<1x4xf32>
    %reduce_sum3A_198 = arith.constant dense<0.000000e+00> : vector<4xf32>
    %reduce_sum3A_199 = vector.multi_reduction <add>, %convert_element_type3A_117, %reduce_sum3A_198 [0] : vector<512x4xf32> to vector<4xf32>
    %broadcast_in_dim3A_200 = vector.shape_cast %reduce_sum3A_199 : vector<4xf32> to vector<1x4xf32>
    %add3A_201 = arith.addf %get3A_197, %broadcast_in_dim3A_200 : vector<1x4xf32>
    %swap3A_202 = arith.constant 0 : index
    %swap3A_203 = arith.constant 0 : index
    %swap3A_204 = vector.load %arg13[%swap3A_202, %swap3A_203] : memref<1x128xf32, #tpu.memory_space<vmem>>, vector<1x4xf32>
    tpu.vector_store %arg13[%swap3A_202, %swap3A_203], %add3A_201 {strides = array<i32>} : memref<1x128xf32, #tpu.memory_space<vmem>>, vector<1x4xf32>,
    %get3A_205 = arith.constant 0 : index
    %get3A_206 = arith.constant 0 : index
    %get3A_207 = vector.load %arg14[%get3A_205, %get3A_206] : memref<1x128xf32, #tpu.memory_space<vmem>>, vector<1x4xf32>
    %reduce_sum3A_208 = arith.constant dense<0.000000e+00> : vector<4xf32>
    %reduce_sum3A_209 = vector.multi_reduction <add>, %div3A_106, %reduce_sum3A_208 [0] : vector<512x4xf32> to vector<4xf32>
    %broadcast_in_dim3A_210 = vector.shape_cast %reduce_sum3A_209 : vector<4xf32> to vector<1x4xf32>
    %add3A_211 = arith.addf %get3A_207, %broadcast_in_dim3A_210 : vector<1x4xf32>
    %swap3A_212 = arith.constant 0 : index
    %swap3A_213 = arith.constant 0 : index
    %swap3A_214 = vector.load %arg14[%swap3A_212, %swap3A_213] : memref<1x128xf32, #tpu.memory_space<vmem>>, vector<1x4xf32>
    tpu.vector_store %arg14[%swap3A_212, %swap3A_213], %add3A_211 {strides = array<i32>} : memref<1x128xf32, #tpu.memory_space<vmem>>, vector<1x4xf32>,
    %get3A_215 = arith.constant 0 : index
    %get3A_216 = arith.constant 0 : index
    %get3A_217 = vector.load %arg15[%get3A_215, %get3A_216] : memref<1x128xf32, #tpu.memory_space<vmem>>, vector<1x4xf32>
    %reduce_sum3A_218 = arith.constant dense<0.000000e+00> : vector<4xf32>
    %reduce_sum3A_219 = vector.multi_reduction <add>, %mul3A_137, %reduce_sum3A_218 [0] : vector<512x4xf32> to vector<4xf32>
    %broadcast_in_dim3A_220 = vector.shape_cast %reduce_sum3A_219 : vector<4xf32> to vector<1x4xf32>
    %add3A_221 = arith.addf %get3A_217, %broadcast_in_dim3A_220 : vector<1x4xf32>
    %swap3A_222 = arith.constant 0 : index
    %swap3A_223 = arith.constant 0 : index
    %swap3A_224 = vector.load %arg15[%swap3A_222, %swap3A_223] : memref<1x128xf32, #tpu.memory_space<vmem>>, vector<1x4xf32>
    tpu.vector_store %arg15[%swap3A_222, %swap3A_223], %add3A_221 {strides = array<i32>} : memref<1x128xf32, #tpu.memory_space<vmem>>, vector<1x4xf32>,
    %eq3A_225 = arith.constant 7 : i32
    %eq3A_226 = arith.cmpi eq, %arg0, %eq3A_225 : i32
    %convert_element_type3A_227 = arith.extui %eq3A_226 : i1 to i32
    %cond3A_228 = arith.constant 0 : i32
    %cond3A_229 = arith.cmpi ne, %convert_element_type3A_227, %cond3A_228 : i32
    scf.if %cond3A_229 {
      %get3A_230 = arith.constant 0 : index
      %get3A_231 = arith.constant 0 : index
      %get3A_232 = vector.load %arg14[%get3A_230, %get3A_231] : memref<1x128xf32, #tpu.memory_space<vmem>>, vector<1x4xf32>
      %get3A_233 = arith.constant 0 : index
      %get3A_234 = arith.constant 0 : index
      %get3A_235 = vector.load %arg15[%get3A_233, %get3A_234] : memref<1x128xf32, #tpu.memory_space<vmem>>, vector<1x4xf32>
      %mul3A_236 = arith.mulf %get3A_232, %get3A_235 : vector<1x4xf32>
      %reduce_sum3A_237 = arith.constant dense<0.000000e+00> : vector<1xf32>
      %reduce_sum3A_238 = vector.multi_reduction <add>, %mul3A_236, %reduce_sum3A_237 [1] : vector<1x4xf32> to vector<1xf32>
      %broadcast_in_dim3A_239 = vector.shape_cast %reduce_sum3A_238 : vector<1xf32> to vector<1x1xf32>
      %mul3A_240 = arith.constant 2.38418579E-7 : f32
      %mul3A_241 = vector.broadcast %mul3A_240 : f32 to vector<1x1xf32>
      %mul3A_242 = arith.mulf %broadcast_in_dim3A_239, %mul3A_241 : vector<1x1xf32>
      %swap3A_243 = arith.constant 0 : index
      %swap3A_244 = arith.constant 0 : index
      %swap3A_245 = vector.load %arg12[%swap3A_243, %swap3A_244] : memref<1x1xf32, #tpu.memory_space<vmem>>, vector<1x1xf32>
      tpu.vector_store %arg12[%swap3A_243, %swap3A_244], %mul3A_242 {strides = array<i32>} : memref<1x1xf32, #tpu.memory_space<vmem>>, vector<1x1xf32>,
    } else {
    }
    return
  }
  func.func @transform_0(%arg0: i32) -> (i32, i32, i32, i32) {
    %jit3A = arith.constant 4 : i32
    %div3A = arith.divsi %arg0, %jit3A : i32
    %sign3A = arith.constant 0 : i32
    %sign3A_0 = arith.cmpi sgt, %arg0, %sign3A : i32
    %sign3A_1 = arith.extui %sign3A_0 : i1 to i32
    %sign3A_2 = arith.constant 0 : i32
    %sign3A_3 = arith.cmpi slt, %arg0, %sign3A_2 : i32
    %sign3A_4 = arith.extui %sign3A_3 : i1 to i32
    %sign3A_5 = arith.subi %sign3A_1, %sign3A_4 : i32
    %sign3A_6 = arith.constant 0 : i32
    %sign3A_7 = arith.cmpi sgt, %jit3A, %sign3A_6 : i32
    %sign3A_8 = arith.extui %sign3A_7 : i1 to i32
    %sign3A_9 = arith.constant 0 : i32
    %sign3A_10 = arith.cmpi slt, %jit3A, %sign3A_9 : i32
    %sign3A_11 = arith.extui %sign3A_10 : i1 to i32
    %sign3A_12 = arith.subi %sign3A_8, %sign3A_11 : i32
    %ne3A = arith.cmpi ne, %sign3A_5, %sign3A_12 : i32
    %rem3A = arith.remsi %arg0, %jit3A : i32
    %ne3A_13 = arith.constant 0 : i32
    %ne3A_14 = arith.cmpi ne, %rem3A, %ne3A_13 : i32
    %and3A = arith.andi %ne3A, %ne3A_14 : i1
    %sub3A = arith.constant 1 : i32
    %sub3A_15 = arith.subi %div3A, %sub3A : i32
    %select_n3A = arith.select %and3A, %sub3A_15, %div3A : i32
    %jit3A_16 = arith.constant 4 : i32
    %eq3A = arith.constant 0 : i32
    %eq3A_17 = arith.cmpi eq, %jit3A_16, %eq3A : i32
    %jit3A_18 = arith.constant 1 : i32
    %select_n3A_19 = arith.select %eq3A_17, %jit3A_18, %jit3A_16 : i32
    %rem3A_20 = arith.remsi %arg0, %select_n3A_19 : i32
    %ne3A_21 = arith.constant 0 : i32
    %ne3A_22 = arith.cmpi ne, %rem3A_20, %ne3A_21 : i32
    %lt3A = arith.constant 0 : i32
    %lt3A_23 = arith.cmpi slt, %rem3A_20, %lt3A : i32
    %lt3A_24 = arith.constant 0 : i32
    %lt3A_25 = arith.cmpi slt, %select_n3A_19, %lt3A_24 : i32
    %ne3A_26 = arith.xori %lt3A_23, %lt3A_25 : i1
    %and3A_27 = arith.andi %ne3A_26, %ne3A_22 : i1
    %add3A = arith.addi %rem3A_20, %select_n3A_19 : i32
    %select_n3A_28 = arith.select %and3A_27, %add3A, %rem3A_20 : i32
    %c0_i32 = arith.constant 0 : i32
    %c0_i32_29 = arith.constant 0 : i32
    %c0_i32_30 = arith.constant 0 : i32
    return %select_n3A, %c0_i32, %select_n3A_28, %c0_i32_29 : i32, i32, i32, i32
  }
  func.func @transform_1(%arg0: i32) -> (i32, i32) {
    %c0_i32 = arith.constant 0 : i32
    %c0_i32_0 = arith.constant 0 : i32
    return %arg0, %c0_i32 : i32, i32
  }
  func.func @transform_2(%arg0: i32) -> (i32, i32) {
    %c0_i32 = arith.constant 0 : i32
    %c0_i32_0 = arith.constant 0 : i32
    %c0_i32_1 = arith.constant 0 : i32
    return %c0_i32, %c0_i32_0 : i32, i32
  }
  func.func @transform_3(%arg0: i32) -> (i32, i32) {
    %c0_i32 = arith.constant 0 : i32
    %c0_i32_0 = arith.constant 0 : i32
    %c0_i32_1 = arith.constant 0 : i32
    return %c0_i32, %c0_i32_0 : i32, i32
  }
  func.func @transform_4(%arg0: i32) -> (i32, i32) {
    %c0_i32 = arith.constant 0 : i32
    %c0_i32_0 = arith.constant 0 : i32
    %c0_i32_1 = arith.constant 0 : i32
    return %c0_i32, %c0_i32_0 : i32, i32
  }
  func.func @transform_5(%arg0: i32) -> (i32, i32) {
    %c0_i32 = arith.constant 0 : i32
    %c0_i32_0 = arith.constant 0 : i32
    %c0_i32_1 = arith.constant 0 : i32
    return %c0_i32, %c0_i32_0 : i32, i32
  }
  func.func @transform_6(%arg0: i32) -> (i32, i32) {
    %c0_i32 = arith.constant 0 : i32
    %c0_i32_0 = arith.constant 0 : i32
    %c0_i32_1 = arith.constant 0 : i32
    return %c0_i32, %c0_i32_0 : i32, i32
  }
  func.func @transform_7(%arg0: i32) -> (i32, i32) {
    %c0_i32 = arith.constant 0 : i32
    %c0_i32_0 = arith.constant 0 : i32
    return %arg0, %c0_i32 : i32, i32
  }
  func.func @transform_8(%arg0: i32) -> (i32, i32) {
    %c0_i32 = arith.constant 0 : i32
    %c0_i32_0 = arith.constant 0 : i32
    return %arg0, %c0_i32 : i32, i32
  }
  func.func @transform_9(%arg0: i32) -> (i32, i32) {
    %c0_i32 = arith.constant 0 : i32
    %c0_i32_0 = arith.constant 0 : i32
    return %arg0, %c0_i32 : i32, i32
  }
  func.func @transform_10(%arg0: i32) -> (i32, i32) {
    %c0_i32 = arith.constant 0 : i32
    %c0_i32_0 = arith.constant 0 : i32
    return %arg0, %c0_i32 : i32, i32
  }
  func.func @transform_11(%arg0: i32) -> (i32, i32) {
    %c0_i32 = arith.constant 0 : i32
    %c0_i32_0 = arith.constant 0 : i32
    %c0_i32_1 = arith.constant 0 : i32
    return %c0_i32, %c0_i32_0 : i32, i32
  }
}

module attributes {stable_mosaic.version = 14 : i64} {
  func.func @_fold_body(%arg0: i32, %arg1: memref<1x1536x384xf32, #tpu.memory_space<vmem>>, %arg2: memref<1x1536x4xf32, #tpu.memory_space<vmem>>, %arg3: memref<1x4x384xf32, #tpu.memory_space<vmem>>, %arg4: memref<1x1536x384xbf16, #tpu.memory_space<vmem>>) attributes {dimension_semantics = [#tpu.dimension_semantics<arbitrary>], iteration_bounds = array<i64: 4>, scalar_prefetch = 0 : i64, scratch_operands = 0 : i64, tpu.core_type = #tpu.core_type<tc>, window_params = [{transform_indices = @transform_0, window_bounds = array<i64: 1, 1536, 384>}, {transform_indices = @transform_1, window_bounds = array<i64: 1, 1536, 4>}, {transform_indices = @transform_2, window_bounds = array<i64: 1, 4, 384>}, {transform_indices = @transform_3, window_bounds = array<i64: 1, 1536, 384>}]} {
    %get3A = arith.constant 0 : index
    %get3A_0 = arith.constant 0 : index
    %get3A_1 = arith.constant 0 : index
    %get3A_2 = vector.load %arg1[%get3A, %get3A_0, %get3A_1] : memref<1x1536x384xf32, #tpu.memory_space<vmem>>, vector<1x1536x384xf32>
    %get3A_3 = vector.shape_cast %get3A_2 : vector<1x1536x384xf32> to vector<1536x384xf32>
    %get3A_4 = arith.constant 0 : index
    %get3A_5 = arith.constant 0 : index
    %get3A_6 = arith.constant 0 : index
    %get3A_7 = vector.load %arg2[%get3A_4, %get3A_5, %get3A_6] : memref<1x1536x4xf32, #tpu.memory_space<vmem>>, vector<1x1536x4xf32>
    %get3A_8 = vector.shape_cast %get3A_7 : vector<1x1536x4xf32> to vector<1536x4xf32>
    %get3A_9 = arith.constant 0 : index
    %get3A_10 = arith.constant 0 : index
    %get3A_11 = arith.constant 0 : index
    %get3A_12 = vector.load %arg3[%get3A_9, %get3A_10, %get3A_11] : memref<1x4x384xf32, #tpu.memory_space<vmem>>, vector<1x4x384xf32>
    %get3A_13 = vector.shape_cast %get3A_12 : vector<1x4x384xf32> to vector<4x384xf32>
    %dot_general3A = arith.constant dense<0.000000e+00> : vector<1536x384xf32>
    %dot_general3A_14 = tpu.matmul %get3A_8, %get3A_13, %dot_general3A {dimension_numbers = #tpu.dot_dimension_numbers<[1], [0], [0], [1], [0, 0, 1, 1], [], []>, transpose_lhs_hint = false} : vector<1536x4xf32>, vector<4x384xf32>, vector<1536x384xf32> -> vector<1536x384xf32>
    %mul3A = arith.constant 2.500000e-01 : f32
    %mul3A_15 = vector.broadcast %mul3A : f32 to vector<1536x384xf32>
    %mul3A_16 = arith.mulf %mul3A_15, %dot_general3A_14 : vector<1536x384xf32>
    %add3A = arith.addf %get3A_3, %mul3A_16 : vector<1536x384xf32>
    %convert_element_type3A = arith.truncf %add3A : vector<1536x384xf32> to vector<1536x384xbf16>
    %swap3A = arith.constant 0 : index
    %swap3A_17 = arith.constant 0 : index
    %swap3A_18 = arith.constant 0 : index
    %swap3A_19 = vector.load %arg4[%swap3A, %swap3A_17, %swap3A_18] : memref<1x1536x384xbf16, #tpu.memory_space<vmem>>, vector<1x1536x384xbf16>
    %swap3A_20 = vector.shape_cast %swap3A_19 : vector<1x1536x384xbf16> to vector<1536x384xbf16>
    %swap3A_21 = vector.shape_cast %convert_element_type3A : vector<1536x384xbf16> to vector<1x1536x384xbf16>
    tpu.vector_store %arg4[%swap3A, %swap3A_17, %swap3A_18], %swap3A_21 {strides = array<i32>} : memref<1x1536x384xbf16, #tpu.memory_space<vmem>>, vector<1x1536x384xbf16>,
    return
  }
  func.func @transform_0(%arg0: i32) -> (i32, i32, i32) {
    %c0_i32 = arith.constant 0 : i32
    %c0_i32_0 = arith.constant 0 : i32
    %c0_i32_1 = arith.constant 0 : i32
    return %arg0, %c0_i32, %c0_i32_0 : i32, i32, i32
  }
  func.func @transform_1(%arg0: i32) -> (i32, i32, i32) {
    %c0_i32 = arith.constant 0 : i32
    %c0_i32_0 = arith.constant 0 : i32
    %c0_i32_1 = arith.constant 0 : i32
    return %arg0, %c0_i32, %c0_i32_0 : i32, i32, i32
  }
  func.func @transform_2(%arg0: i32) -> (i32, i32, i32) {
    %c0_i32 = arith.constant 0 : i32
    %c0_i32_0 = arith.constant 0 : i32
    %c0_i32_1 = arith.constant 0 : i32
    return %arg0, %c0_i32, %c0_i32_0 : i32, i32, i32
  }
  func.func @transform_3(%arg0: i32) -> (i32, i32, i32) {
    %c0_i32 = arith.constant 0 : i32
    %c0_i32_0 = arith.constant 0 : i32
    %c0_i32_1 = arith.constant 0 : i32
    return %arg0, %c0_i32, %c0_i32_0 : i32, i32, i32
  }
}

module attributes {stable_mosaic.version = 14 : i64} {
  func.func @_fold_body(%arg0: i32, %arg1: memref<1x384x1536xf32, #tpu.memory_space<vmem>>, %arg2: memref<1x384x4xf32, #tpu.memory_space<vmem>>, %arg3: memref<1x4x1536xf32, #tpu.memory_space<vmem>>, %arg4: memref<1x384x1536xbf16, #tpu.memory_space<vmem>>) attributes {dimension_semantics = [#tpu.dimension_semantics<arbitrary>], iteration_bounds = array<i64: 4>, scalar_prefetch = 0 : i64, scratch_operands = 0 : i64, tpu.core_type = #tpu.core_type<tc>, window_params = [{transform_indices = @transform_0, window_bounds = array<i64: 1, 384, 1536>}, {transform_indices = @transform_1, window_bounds = array<i64: 1, 384, 4>}, {transform_indices = @transform_2, window_bounds = array<i64: 1, 4, 1536>}, {transform_indices = @transform_3, window_bounds = array<i64: 1, 384, 1536>}]} {
    %get3A = arith.constant 0 : index
    %get3A_0 = arith.constant 0 : index
    %get3A_1 = arith.constant 0 : index
    %get3A_2 = vector.load %arg1[%get3A, %get3A_0, %get3A_1] : memref<1x384x1536xf32, #tpu.memory_space<vmem>>, vector<1x384x1536xf32>
    %get3A_3 = vector.shape_cast %get3A_2 : vector<1x384x1536xf32> to vector<384x1536xf32>
    %get3A_4 = arith.constant 0 : index
    %get3A_5 = arith.constant 0 : index
    %get3A_6 = arith.constant 0 : index
    %get3A_7 = vector.load %arg2[%get3A_4, %get3A_5, %get3A_6] : memref<1x384x4xf32, #tpu.memory_space<vmem>>, vector<1x384x4xf32>
    %get3A_8 = vector.shape_cast %get3A_7 : vector<1x384x4xf32> to vector<384x4xf32>
    %get3A_9 = arith.constant 0 : index
    %get3A_10 = arith.constant 0 : index
    %get3A_11 = arith.constant 0 : index
    %get3A_12 = vector.load %arg3[%get3A_9, %get3A_10, %get3A_11] : memref<1x4x1536xf32, #tpu.memory_space<vmem>>, vector<1x4x1536xf32>
    %get3A_13 = vector.shape_cast %get3A_12 : vector<1x4x1536xf32> to vector<4x1536xf32>
    %dot_general3A = arith.constant dense<0.000000e+00> : vector<384x1536xf32>
    %dot_general3A_14 = tpu.matmul %get3A_8, %get3A_13, %dot_general3A {dimension_numbers = #tpu.dot_dimension_numbers<[1], [0], [0], [1], [0, 0, 1, 1], [], []>, transpose_lhs_hint = false} : vector<384x4xf32>, vector<4x1536xf32>, vector<384x1536xf32> -> vector<384x1536xf32>
    %mul3A = arith.constant 2.500000e-01 : f32
    %mul3A_15 = vector.broadcast %mul3A : f32 to vector<384x1536xf32>
    %mul3A_16 = arith.mulf %mul3A_15, %dot_general3A_14 : vector<384x1536xf32>
    %add3A = arith.addf %get3A_3, %mul3A_16 : vector<384x1536xf32>
    %convert_element_type3A = arith.truncf %add3A : vector<384x1536xf32> to vector<384x1536xbf16>
    %swap3A = arith.constant 0 : index
    %swap3A_17 = arith.constant 0 : index
    %swap3A_18 = arith.constant 0 : index
    %swap3A_19 = vector.load %arg4[%swap3A, %swap3A_17, %swap3A_18] : memref<1x384x1536xbf16, #tpu.memory_space<vmem>>, vector<1x384x1536xbf16>
    %swap3A_20 = vector.shape_cast %swap3A_19 : vector<1x384x1536xbf16> to vector<384x1536xbf16>
    %swap3A_21 = vector.shape_cast %convert_element_type3A : vector<384x1536xbf16> to vector<1x384x1536xbf16>
    tpu.vector_store %arg4[%swap3A, %swap3A_17, %swap3A_18], %swap3A_21 {strides = array<i32>} : memref<1x384x1536xbf16, #tpu.memory_space<vmem>>, vector<1x384x1536xbf16>,
    return
  }
  func.func @transform_0(%arg0: i32) -> (i32, i32, i32) {
    %c0_i32 = arith.constant 0 : i32
    %c0_i32_0 = arith.constant 0 : i32
    %c0_i32_1 = arith.constant 0 : i32
    return %arg0, %c0_i32, %c0_i32_0 : i32, i32, i32
  }
  func.func @transform_1(%arg0: i32) -> (i32, i32, i32) {
    %c0_i32 = arith.constant 0 : i32
    %c0_i32_0 = arith.constant 0 : i32
    %c0_i32_1 = arith.constant 0 : i32
    return %arg0, %c0_i32, %c0_i32_0 : i32, i32, i32
  }
  func.func @transform_2(%arg0: i32) -> (i32, i32, i32) {
    %c0_i32 = arith.constant 0 : i32
    %c0_i32_0 = arith.constant 0 : i32
    %c0_i32_1 = arith.constant 0 : i32
    return %arg0, %c0_i32, %c0_i32_0 : i32, i32, i32
  }
  func.func @transform_3(%arg0: i32) -> (i32, i32, i32) {
    %c0_i32 = arith.constant 0 : i32
    %c0_i32_0 = arith.constant 0 : i32
    %c0_i32_1 = arith.constant 0 : i32
    return %arg0, %c0_i32, %c0_i32_0 : i32, i32, i32
  }
}

module attributes {stable_mosaic.version = 14 : i64} {
  func.func @_mlp_body(%arg0: i32, %arg1: i32, %arg2: memref<1280x384xf32, #tpu.memory_space<vmem>>, %arg3: memref<1x1536x384xbf16, #tpu.memory_space<vmem>>, %arg4: memref<1x384x1536xbf16, #tpu.memory_space<vmem>>, %arg5: memref<1280x384xf32, #tpu.memory_space<vmem>>) attributes {dimension_semantics = [#tpu.dimension_semantics<arbitrary>, #tpu.dimension_semantics<arbitrary>], iteration_bounds = array<i64: 4, 1>, scalar_prefetch = 0 : i64, scratch_operands = 0 : i64, tpu.core_type = #tpu.core_type<tc>, window_params = [{transform_indices = @transform_0, window_bounds = array<i64: 1280, 384>}, {transform_indices = @transform_1, window_bounds = array<i64: 1, 1536, 384>}, {transform_indices = @transform_2, window_bounds = array<i64: 1, 384, 1536>}, {transform_indices = @transform_3, window_bounds = array<i64: 1280, 384>}]} {
    %get3A = arith.constant 0 : index
    %get3A_0 = arith.constant 0 : index
    %get3A_1 = vector.load %arg2[%get3A, %get3A_0] : memref<1280x384xf32, #tpu.memory_space<vmem>>, vector<1280x384xf32>
    %convert_element_type3A = arith.truncf %get3A_1 : vector<1280x384xf32> to vector<1280x384xbf16>
    %get3A_2 = arith.constant 0 : index
    %get3A_3 = arith.constant 0 : index
    %get3A_4 = arith.constant 0 : index
    %get3A_5 = vector.load %arg3[%get3A_2, %get3A_3, %get3A_4] : memref<1x1536x384xbf16, #tpu.memory_space<vmem>>, vector<1x1536x384xbf16>
    %get3A_6 = vector.shape_cast %get3A_5 : vector<1x1536x384xbf16> to vector<1536x384xbf16>
    %dot_general3A = arith.constant dense<0.000000e+00> : vector<1280x1536xf32>
    %dot_general3A_7 = tpu.matmul %convert_element_type3A, %get3A_6, %dot_general3A {dimension_numbers = #tpu.dot_dimension_numbers<[1], [1], [0], [0], [0, 0, 1, 0], [], []>, transpose_lhs_hint = false} : vector<1280x384xbf16>, vector<1536x384xbf16>, vector<1280x1536xf32> -> vector<1280x1536xf32>
    %max3A = arith.constant 0.000000e+00 : f32
    %max3A_8 = vector.broadcast %max3A : f32 to vector<1280x1536xf32>
    %max3A_9 = arith.maximumf %dot_general3A_7, %max3A_8 : vector<1280x1536xf32>
    %convert_element_type3A_10 = arith.truncf %max3A_9 : vector<1280x1536xf32> to vector<1280x1536xbf16>
    %get3A_11 = arith.constant 0 : index
    %get3A_12 = arith.constant 0 : index
    %get3A_13 = arith.constant 0 : index
    %get3A_14 = vector.load %arg4[%get3A_11, %get3A_12, %get3A_13] : memref<1x384x1536xbf16, #tpu.memory_space<vmem>>, vector<1x384x1536xbf16>
    %get3A_15 = vector.shape_cast %get3A_14 : vector<1x384x1536xbf16> to vector<384x1536xbf16>
    %dot_general3A_16 = arith.constant dense<0.000000e+00> : vector<1280x384xf32>
    %dot_general3A_17 = tpu.matmul %convert_element_type3A_10, %get3A_15, %dot_general3A_16 {dimension_numbers = #tpu.dot_dimension_numbers<[1], [1], [0], [0], [0, 0, 1, 0], [], []>, transpose_lhs_hint = false} : vector<1280x1536xbf16>, vector<384x1536xbf16>, vector<1280x384xf32> -> vector<1280x384xf32>
    %swap3A = arith.constant 0 : index
    %swap3A_18 = arith.constant 0 : index
    %swap3A_19 = vector.load %arg5[%swap3A, %swap3A_18] : memref<1280x384xf32, #tpu.memory_space<vmem>>, vector<1280x384xf32>
    tpu.vector_store %arg5[%swap3A, %swap3A_18], %dot_general3A_17 {strides = array<i32>} : memref<1280x384xf32, #tpu.memory_space<vmem>>, vector<1280x384xf32>,
    return
  }
  func.func @transform_0(%arg0: i32, %arg1: i32) -> (i32, i32) {
    %mul3A = arith.constant 1 : i32
    %mul3A_0 = arith.muli %arg0, %mul3A : i32
    %add3A = arith.addi %mul3A_0, %arg1 : i32
    %c0_i32 = arith.constant 0 : i32
    %c0_i32_1 = arith.constant 0 : i32
    return %add3A, %c0_i32 : i32, i32
  }
  func.func @transform_1(%arg0: i32, %arg1: i32) -> (i32, i32, i32) {
    %c0_i32 = arith.constant 0 : i32
    %c0_i32_0 = arith.constant 0 : i32
    %c0_i32_1 = arith.constant 0 : i32
    return %arg0, %c0_i32, %c0_i32_0 : i32, i32, i32
  }
  func.func @transform_2(%arg0: i32, %arg1: i32) -> (i32, i32, i32) {
    %c0_i32 = arith.constant 0 : i32
    %c0_i32_0 = arith.constant 0 : i32
    %c0_i32_1 = arith.constant 0 : i32
    return %arg0, %c0_i32, %c0_i32_0 : i32, i32, i32
  }
  func.func @transform_3(%arg0: i32, %arg1: i32) -> (i32, i32) {
    %mul3A = arith.constant 1 : i32
    %mul3A_0 = arith.muli %arg0, %mul3A : i32
    %add3A = arith.addi %mul3A_0, %arg1 : i32
    %c0_i32 = arith.constant 0 : i32
    %c0_i32_1 = arith.constant 0 : i32
    return %add3A, %c0_i32 : i32, i32
  }
}

module attributes {stable_mosaic.version = 14 : i64} {
  func.func @_epi_body(%arg0: i32, %arg1: memref<512x384xf32, #tpu.memory_space<vmem>>, %arg2: memref<512x1xf32, #tpu.memory_space<vmem>>, %arg3: memref<512x384xf32, #tpu.memory_space<vmem>>, %arg4: memref<512x384xf32, #tpu.memory_space<vmem>>) attributes {dimension_semantics = [#tpu.dimension_semantics<arbitrary>], iteration_bounds = array<i64: 8>, scalar_prefetch = 0 : i64, scratch_operands = 0 : i64, tpu.core_type = #tpu.core_type<tc>, window_params = [{transform_indices = @transform_0, window_bounds = array<i64: 512, 384>}, {transform_indices = @transform_1, window_bounds = array<i64: 512, 1>}, {transform_indices = @transform_2, window_bounds = array<i64: 512, 384>}, {transform_indices = @transform_3, window_bounds = array<i64: 512, 384>}]} {
    %get3A = arith.constant 0 : index
    %get3A_0 = arith.constant 0 : index
    %get3A_1 = vector.load %arg2[%get3A, %get3A_0] : memref<512x1xf32, #tpu.memory_space<vmem>>, vector<512x1xf32>
    %get3A_2 = arith.constant 0 : index
    %get3A_3 = arith.constant 0 : index
    %get3A_4 = vector.load %arg1[%get3A_2, %get3A_3] : memref<512x384xf32, #tpu.memory_space<vmem>>, vector<512x384xf32>
    %gt3A = arith.constant 0.000000e+00 : f32
    %gt3A_5 = vector.broadcast %gt3A : f32 to vector<512x1xf32>
    %gt3A_6 = arith.cmpf ogt, %get3A_1, %gt3A_5 : vector<512x1xf32>
    %get3A_7 = arith.constant 0 : index
    %get3A_8 = arith.constant 0 : index
    %get3A_9 = vector.load %arg3[%get3A_7, %get3A_8] : memref<512x384xf32, #tpu.memory_space<vmem>>, vector<512x384xf32>
    %mul3A = vector.broadcast %get3A_1 : vector<512x1xf32> to vector<512x384xf32>
    %mul3A_10 = arith.mulf %mul3A, %get3A_9 : vector<512x384xf32>
    %jit3A = arith.constant 0.000000e+00 : f32
    %broadcast_in_dim3A = vector.shape_cast %gt3A_6 : vector<512x1xi1> to vector<512x1xi1>
    %broadcast_in_dim3A_11 = vector.broadcast %broadcast_in_dim3A : vector<512x1xi1> to vector<512x384xi1>
    %broadcast_in_dim3A_12 = vector.broadcast %jit3A : f32 to vector<512x384xf32>
    %select_n3A = arith.select %broadcast_in_dim3A_11, %mul3A_10, %broadcast_in_dim3A_12 : vector<512x384xi1>, vector<512x384xf32>
    %add3A = arith.addf %get3A_4, %select_n3A : vector<512x384xf32>
    %swap3A = arith.constant 0 : index
    %swap3A_13 = arith.constant 0 : index
    %swap3A_14 = vector.load %arg4[%swap3A, %swap3A_13] : memref<512x384xf32, #tpu.memory_space<vmem>>, vector<512x384xf32>
    tpu.vector_store %arg4[%swap3A, %swap3A_13], %add3A {strides = array<i32>} : memref<512x384xf32, #tpu.memory_space<vmem>>, vector<512x384xf32>,
    return
  }
  func.func @transform_0(%arg0: i32) -> (i32, i32) {
    %c0_i32 = arith.constant 0 : i32
    %c0_i32_0 = arith.constant 0 : i32
    return %arg0, %c0_i32 : i32, i32
  }
  func.func @transform_1(%arg0: i32) -> (i32, i32) {
    %c0_i32 = arith.constant 0 : i32
    %c0_i32_0 = arith.constant 0 : i32
    return %arg0, %c0_i32 : i32, i32
  }
  func.func @transform_2(%arg0: i32) -> (i32, i32) {
    %c0_i32 = arith.constant 0 : i32
    %c0_i32_0 = arith.constant 0 : i32
    return %arg0, %c0_i32 : i32, i32
  }
  func.func @transform_3(%arg0: i32) -> (i32, i32) {
    %c0_i32 = arith.constant 0 : i32
    %c0_i32_0 = arith.constant 0 : i32
    return %arg0, %c0_i32 : i32, i32
  }
}

</mosaic_0001>

<sc_bundles>
// kernel: kernel.13.cloned.1.call-start
scs
__scs_entry_jumppad:
0x0: {  	(pc) =	sbr.rel $0x88, $3  }
0x1: {  	(tag) =	ssettag $0x0;
	lr =	simm.s32 $0x1  }
0x2: {  	[smem:$0x3F87] =	sst lr;
	_ =	strace $0xD0000000  }
0x3: {  	_ = 	snop  }
0x4: {  	_ = 	snop  }
0x5: {  	_ = 	snop  }
0x6: {  	_ = 	snop  }
0x7: {  	_ = 	snop  }
__scs_overlays_trampoline_lowered:
0x8: {  	[smem:$0x3F96] =	sst s0  }
0x9: {  	[smem:$0x3F97] =	sst s1  }
0xa: {  	[smem:$0x3F98] =	sst s2  }
0xb: {  	[smem:$0x3F99] =	sst s3  }
0xc: {  	[smem:$0x3F9A] =	sst s4  }
0xd: {  	[smem:$0x3F9B] =	sst s5  }
0xe: {  	[smem:$0x3F9C] =	sst s6  }
0xf: {  	[smem:$0x3F9D] =	sst s7  }
0x10: {  	[smem:$0x3F9E] =	sst s8  }
0x11: {  	[smem:$0x3F9F] =	sst s9;
	s0 =	simm.s32 @!p0 $0x0  }
0x12: {  	s1 =	sld [smem:$0x3F85];
	s0 =	simm.s32 @p0 $0x1  }
0x13: {  	[smem:$0x3FA0] =	sst s0;
	s0 =	simm.s32 @!p1 $0x0  }
0x14: {  	s2 =	sld [smem:$0x3F84];
	s0 =	simm.s32 @p1 $0x1  }
0x15: {  	[smem:$0x3FA1] =	sst s0;
	s0 =	simm.s32 @!p2 $0x0  }
0x16: {  	s3 =	sld [smem:$0x3FDB];
	s0 =	simm.s32 @p2 $0x1  }
0x17: {  	s4 =	simm.s32 $0x1BF5;
	[smem:$0x3FA3] =	sst s0  }
0x18: {  	s0 =	sld [smem:$0x3F86];
	_ =	swait.ge [sflag:s4], $0x0  }
0x19: {  	s7 =	sld [smem:$0x3F87]  }
0x1a: {  	s8 =	sadd.s32 $0xFFFFE003, lr  }
0x1b: {  	s9 =	sadd.s32 $0xFFFFFEF7, lr;
	s5 =	simm.s32 $0xFFFFFFFF;
	p2 =	slt.u32 s8, $0xFFFFF086  }
0x1c: {  	p1 =	slt.u32 s9, $0xF7A;
	s5 =	simm.s32 @!p2 $0x0  }
0x1d: {  	s5 =	simm.s32 @p1 $0x1;
	p0 =	seq.s32 s7, s2  }
0x1e: {  	s7 =	smul.u32 @!p0 $0xF7A, s2;
	p2 =	seq.s32 @!p0 s5, $0x0  }
0x1f: {  	s9 =	smul.u32 $0xF7A, s1;
	s8 =	simm.s32 @!p0 $0x1BF5;
	p2 =	por !p2, p0  }
0x20: {  	[sflag:s8] =	ssyncset.s32 @!p0 $0xFFFFF086;
	s6 =	sadd.s32 @!p0 s3, s7;
	s7 =	simm.s32 @!p0 $0x108  }
0x21: {  	s3 =	sadd.s32 s3, s9;
	s6 =	sadd.s32 @!p0 $0x88, s6;
	s7 =	simm.s32 @p2 $0x1082  }
0x22: {  	[simem:s7], [sflag:s8] =	dma.local @!p0 [hbm:s6], $0xF7A  }
0x23: {  	s9 =	sor.u32 $0xD0000000, s2;
	s6 =	simm.s32 $0x108;
	_ =	swait.ge @!p0 [sflag:s8], $0x0  }
0x24: {  	s3 =	sadd.s32 $0x88, s3;
	s6 =	simm.s32 @!p1 $0x1082;
	[sflag:s4] =	ssyncset.s32 $0xFFFFF086  }
0x25: {  	[simem:s6], [sflag:s4] =	dma.local [hbm:s3], $0xF7A  }
0x26: {  	[smem:$0x3F87] =	sst s1;
	(tag) =	ssettag s2;
	_ =	strace s9  }
0x27: {  	s1 =	sld [smem:$0x3F97]  }
0x28: {  	s2 =	sld [smem:$0x3F98]  }
0x29: {  	s4 =	sld [smem:$0x3F9A]  }
0x2a: {  	p0 =	seq.s32 s5, $0x0;
	s5 =	sld [smem:$0x3F9B]  }
0x2b: {  	s6 =	sld [smem:$0x3F9C]  }
0x2c: {  	s7 =	sld [smem:$0x3F9D]  }
0x2d: {  	s3 =	simm.s32 $0x108;
	s8 =	sld [smem:$0x3F9E]  }
0x2e: {  	s3 =	simm.s32 @!p0 $0x1082;
	s9 =	sld [smem:$0x3F9F]  }
0x2f: {  	lr =	sadd.s32 s0, s3;
	s0 =	sld [smem:$0x3F96]  }
0x30: {  	s3 =	sld [smem:$0x3F99]  }
0x31: {  	[smem:$0x3FA2] =	sst s10  }
0x32: {  	s10 =	sld [smem:$0x3FA0];
	_ =	sdelay $0x3  }
0x33: {  	p0 =	seq.s32 s10, $0x1;
	s10 =	sld [smem:$0x3FA2];
	_ =	sdelay $0x3  }
0x34: {  	[smem:$0x3FA2] =	sst s10  }
0x35: {  	s10 =	sld [smem:$0x3FA1];
	_ =	sdelay $0x3  }
0x36: {  	p1 =	seq.s32 s10, $0x1;
	s10 =	sld [smem:$0x3FA2];
	_ =	sdelay $0x3  }
0x37: {  	[smem:$0x3FA2] =	sst s10  }
0x38: {  	s10 =	sld [smem:$0x3FA3]  }
0x39: {  	_ = 	snop;
	(pc) =	sbr.ind lr, $3  }
0x3a: {  	_ = 	snop  }
0x3b: {  	_ = 	snop  }
0x3c: {  	p2 =	seq.s32 s10, $0x1;
	s10 =	sld [smem:$0x3FA2]  }
0x3d: {  	_ =	shalt  }
0x3e: {  	_ =	shalt  }
0x3f: {  	_ =	shalt  }
0x40: {  	_ =	shalt  }
0x41: {  	_ =	shalt  }
0x42: {  	_ =	shalt  }
0x43: {  	_ =	shalt  }
0x44: {  	_ =	shalt  }
0x45: {  	_ =	shalt  }
0x46: {  	_ =	shalt  }
0x47: {  	_ =	shalt  }
0x48: {  	_ =	shalt  }
0x49: {  	_ =	shalt  }
0x4a: {  	_ =	shalt  }
0x4b: {  	_ =	shalt  }
0x4c: {  	_ =	shalt  }
0x4d: {  	_ =	shalt  }
0x4e: {  	_ =	shalt  }
0x4f: {  	_ =	shalt  }
0x50: {  	_ =	shalt  }
0x51: {  	_ =	shalt  }
0x52: {  	_ =	shalt  }
0x53: {  	_ =	shalt  }
0x54: {  	_ =	shalt  }
0x55: {  	_ =	shalt  }
0x56: {  	_ =	shalt  }
0x57: {  	_ =	shalt  }
0x58: {  	_ =	shalt  }
0x59: {  	_ =	shalt  }
0x5a: {  	_ =	shalt  }
0x5b: {  	_ =	shalt  }
0x5c: {  	_ =	shalt  }
0x5d: {  	_ =	shalt  }
0x5e: {  	_ =	shalt  }
0x5f: {  	_ =	shalt  }
0x60: {  	_ =	shalt  }
0x61: {  	_ =	shalt  }
0x62: {  	_ =	shalt  }
0x63: {  	_ =	shalt  }
0x64: {  	_ =	shalt  }
0x65: {  	_ =	shalt  }
0x66: {  	_ =	shalt  }
0x67: {  	_ =	shalt  }
0x68: {  	_ =	shalt  }
0x69: {  	_ =	shalt  }
0x6a: {  	_ =	shalt  }
0x6b: {  	_ =	shalt  }
0x6c: {  	_ =	shalt  }
0x6d: {  	_ =	shalt  }
0x6e: {  	_ =	shalt  }
0x6f: {  	_ =	shalt  }
0x70: {  	_ =	shalt  }
0x71: {  	_ =	shalt  }
0x72: {  	_ =	shalt  }
0x73: {  	_ =	shalt  }
0x74: {  	_ =	shalt  }
0x75: {  	_ =	shalt  }
0x76: {  	_ =	shalt  }
0x77: {  	_ =	shalt  }
0x78: {  	_ =	shalt  }
0x79: {  	_ =	shalt  }
0x7a: {  	_ =	shalt  }
0x7b: {  	_ =	shalt  }
0x7c: {  	_ =	shalt  }
0x7d: {  	_ =	shalt  }
0x7e: {  	_ =	shalt  }
0x7f: {  	_ =	shalt  }
0x80: {  	_ =	shalt  }
0x81: {  	_ =	shalt  }
0x82: {  	_ =	shalt  }
0x83: {  	_ =	shalt  }
0x84: {  	_ =	shalt  }
0x85: {  	_ =	shalt  }
0x86: {  	_ =	shalt  }
0x87: {  	_ =	shalt  }
.Lfunc_end0:
.L_simem_size_0:
called_computation_lowered:
.L_overlay_start_0:
0x88: {  	s2 =	sld [smem:$0x3FD9]  }
0x89: {  	s3 =	sld [smem:$0x3FFE];
	_ =	sdelay $0x1  }
0x8a: {  	s1 =	srdreg.scid  }
0x8b: {  	s0 =	sand.u32 $0x1, s1  }
0x8c: {  	s16 =	sshll.u32 s0, $0xA;
	s2 =	sadd.s32 s3, s2  }
0x8d: {  	s2 =	sadd.s32 s2, s16  }
0x8e: {  	[smem:$0x3FAE] =	sst s2  }
0x8f: {  	_ = 	snop  }
0x90: {  	(tm) =	ssettm $0x1  }
0x91: {  	s17 =	sld [smem:$0x3FFB];
	_ =	sdelay $0x3  }
0x92: {  	_ =	strace s17  }
0x93: {  	s2 =	sld [smem:$0x3FFC];
	_ =	sdelay $0x3  }
0x94: {  	_ =	strace s2  }
0x95: {  	s2 =	sld [smem:$0x3FFD];
	_ =	sdelay $0x3  }
0x96: {  	_ =	strace s2  }
0x97: {  	_ =	strace $0x8FFFFFFF  }
0x98: {  	s18 =	sld [smem:$0x3FDB];
	_ =	sdelay $0x1  }
0x99: {  	s19 =	simm.s32 $_scs_section_size  }
0x9a: {  	s4 =	simm.s32 $_size__tile_overlayer_lowered;
	s5 =	simm.s32 $_tile_overlayer_lowered  }
0x9b: {  	s22 =	simm.s32 $0x1BFF;
	s21 =	sshll.u32 s5, $0x1;
	s2 =	sadd.s32 s19, s18  }
0x9c: {  	s6 =	simm.s32 $0x0;
	s20 =	sshll.u32 s4, $0x1;
	s4 =	sadd.s32 s21, s2  }
0x9d: {  	[timem:s6], [sflag:s22] =	dma.local [hbm:s4], s20  }
0x9e: {  	_ =	swait.ge [sflag:s22], s20  }
0x9f: {  	s3 =	ssub.s32 $0x0, s20;
	[sflag:s22] =	ssyncset.done $0x0  }
0xa0: {  	[sflag:s22] =	ssyncadd.s32 s3;
	_ =	sdelay $0x1  }
0xa1: {  	s23 =	simm.s32 $0x1B8B  }
0xa2: {  	_ =	swait.ge [sflag:s23], $0x1  }
0xa3: {  	[sflag:s23] =	ssyncset.done $0x0  }
0xa4: {  	s25 =	simm.s32 $0x1B8E;
	s24 =	sld [smem:$0x3FFE];
	[sflag:s23] =	ssyncadd.s32 $0xFFFFFFFF  }
0xa5: {  	s26 =	simm.s32 $execute0_lowered;
	[smem:$0x3FD2] =	sst s25  }
0xa6: {  	s4 =	sshll.u32 s26, $0x1;
	_ =	strace $0x80000046;
	[dreg:$0x1] =	wrdreg $0xFFFFFFFF  }
0xa7: {  	s28 =	simm.s32 $_size_execute0_lowered;
	s2 =	sadd.s32 s2, s4;
	[dreg:$0x0] =	wrdreg $0x0  }
0xa8: {  	s4 =	sshll.u32 s28, $0x1;
	[dreg:$0x2] =	wrdreg s2  }
0xa9: {  	[dreg:$0x3] =	wrdreg s4  }
0xaa: {  	[dreg:$0x4] =	wrdreg $0xC0  }
0xab: {  	_ =	task [dreg:s6], $0x5FFFF  }
0xac: {  	[dreg:$0x1] =	wrdreg $0xFFFFFFFF  }
0xad: {  	[dreg:$0x0] =	wrdreg $0x60  }
0xae: {  	[dreg:$0x2] =	wrdreg s24  }
0xaf: {  	[dreg:$0x3] =	wrdreg $0x9  }
0xb0: {  	_ =	task.clear_ibuf [dreg:s6], $0x4FFFF;
	_ =	strace $0x90000046  }
0xb1: {  	s29 =	simm.s32 $0x9;
	_ =	strace $0x80000048  }
0xb2: {  	_ =	swait.ge [sflag:s29], $0x1  }
0xb3: {  	[sflag:s29] =	ssyncadd.s32 $0xFFFFFFFF  }
0xb4: {  	_ =	strace $0x90000048  }
0xb5: {  	_ =	sfence  }
0xb6: {  	s30 =	sld [smem:$0x0];
	_ =	sdelay $0x2  }
0xb7: {  	s31 =	sshll.u32 s1, $0xD;
	s1 =	sshrl.u32 s1, $0x2  }
0xb8: {  	s3 =	sand.u32 $0x4000, s31;
	s1 =	sadd.s32 s1, s30  }
0xb9: {  	s0 =	sor.u32 s3, s0;
	s1 =	sshll.u32 s1, $0x11  }
0xba: {  	s0 =	sor.u32 s1, s0  }
0xbb: {  	s0 =	sadd.s32 $0x8F2B, s0  }
0xbc: {  	[sflag:s0] =	ssyncadd.remote.s32 $0x1  }
0xbd: {  	_ =	sfence.sel $0xFFFF  }
0xbe: {  	[dreg:$0x0] =	wrdreg $0xFFFFFFFF;
	(pc) =	sbr.abs _section_cstart, $3  }
0xbf: {  	[dreg:$0x1] =	wrdreg $0xFFFFFFFF  }
0xc0: {  	_ =	task.clear_ibuf [dreg:s6], $0x2FFFF;
	_ =	strace $0x9FFFFFFF  }
0xc1: {  	(tm) =	ssettm $0x7FFFFFFF  }
tec
execute0_lowered:
.L_overlay_start_1:
0x0: {  	(tag) =	ssettag $0x1  }
0x1: {  	s1 =	srdreg.scid  }
0x2: {  	s0 =	stileid.u32;
	s4 =	rddreg [dreg:$0x0];
	s19 =	simm.s32 $0x880  }
0x3: {  	s20 =	simm.s32 $0xC80;
	s21 =	simm.s32 $0x1480;
	s22 =	simm.s32 $0x1880  }
0x4: {  	s23 =	simm.s32 $0x2080;
	s24 =	simm.s32 $0x2480;
	s25 =	simm.s32 $0x2C80  }
0x5: {  	s26 =	simm.s32 $0x3080;
	s7 =	simm.s32 $0x80;
	s9 =	simm.s32 $0x3C80  }
0x6: {  	s10 =	simm.s32 $0x4480;
	s11 =	simm.s32 $0x4880;
	s1 =	sand.u32 $0x1, s1  }
0x7: {  	s12 =	simm.s32 $0x5080;
	s2 =	sshll.u32 s0, $0x5;
	s3 =	sshll.u32 s1, $0x4  }
0x8: {  	s13 =	simm.s32 $0x5480;
	s3 =	sor.u32 s3, s2;
	s2 =	simm.s32 $0x0  }
0x9: {  	s14 =	simm.s32 $0x5C80;
	s15 =	simm.s32 $0x6080;
	[smem:$0x7FF] =	sst s2  }
0xa: {  	s16 =	simm.s32 $0x6880;
	_ =	strace $0x80000047;
	[dreg:$0x4] =	wrdreg s19  }
0xb: {  	s17 =	simm.s32 $0x6C80;
	s28 =	simm.s32 $0xA880;
	[dreg:$0x5] =	wrdreg s20  }
0xc: {  	s29 =	simm.s32 $0xB080;
	s30 =	simm.s32 $0xB480;
	[dreg:$0x6] =	wrdreg s21  }
0xd: {  	s31 =	simm.s32 $0xBC80;
	s1 =	ssub.s32 $0x2, s1;
	[dreg:$0x7] =	wrdreg s22  }
0xe: {  	s6 =	sshrl.u32 s1, $0x1;
	s5 =	smul.u32 $0x180, s3;
	[dreg:$0x8] =	wrdreg s23  }
0xf: {  	s3 =	sadd.s32 s3, s4;
	s1 =	ssub.s32 s1, s6;
	[dreg:$0x9] =	wrdreg s24  }
0x10: {  	s6 =	simm.s32 $0x2;
	s3 =	sadd.s32 $0x45200, s3;
	[dreg:$0xa] =	wrdreg s25  }
0x11: {  	[dreg:$0xb] =	wrdreg s26;
	s19 =	simm.s32 $0x7880;
	s20 =	simm.s32 $0x8080  }
0x12: {  	s21 =	simm.s32 $0x8480;
	s22 =	simm.s32 $0x8C80;
	s23 =	simm.s32 $0x9080  }
0x13: {  	s24 =	simm.s32 $0x9880;
	s25 =	simm.s32 $0x9C80;
	s26 =	simm.s32 $0xA480  }
0x14: {  	v2 =	vlaneseq.u32;
	s5 =	sadd.s32 s5, s4;
	[dreg:$0x2] =	wrdreg s3;
	s3 =	sadd.s32 $0x45400, s4  }
0x15: {  	vm0 =	vmmov $0xffff;
	vm1 =	vmmov $0xff;
	v1 =	vshrl.u32 v2, $0x3;
	s4 =	sadd.s32 $0x45500, s4;
	s18 =	sadd.s32 $0x5200, s5;
	s5 =	smax.u32 s1, $0x1  }
0x16: {  	v0 =	vand.u32 $0x7, v2;
	v2 =	vor.u32 $0x8, v2;
	v1 =	vmul.u32 $0x8, v1;
	s1 =	simm.s32 $0x1;
	[dreg:$0x3] =	wrdreg s18;
	s18 =	simm.s32 $0x7480  }
.LBB2_1:
0x17: {  	s0 =	rddreg [dreg:$0x2]  }
0x18: {  	[tilespmem:s2], [sflag:$0x2] =	stream.linear.gather [hbm4b:s0+s2], $0x80, $0x38;
	[tilespmem:$0xC080] =	vst v63  }
0x19: {  	_ =	swait.ge [sflag:s6], $0x80  }
0x1a: {  	[sflag:s6] =	ssyncset.done $0x0  }
0x1b: {  	s8 =	rddreg [dreg:$0x3];
	[sflag:s6] =	ssyncadd.s32 $0xFFFFFF80  }
0x1c: {  	[tilespmem:s7], [sflag:$0x2] =	stream.linear.gather [hbm4b:s8+s2], $0xC000, $0x38;
	[tilespmem:$0xC080] =	vst v63  }
0x1d: {  	_ =	swait.ge [sflag:s6], $0xC000  }
0x1e: {  	[sflag:s6] =	ssyncset.done $0x0  }
0x1f: {  	[sflag:s6] =	ssyncadd.s32 $0xFFFF4000  }
0x20: {  	v3 =	vld [tilespmem:$0x0];
	_ =	sdelay $0x4  }
0x21: {  	v4 =	vshrl.u32 v3, $0x3  }
0x22: {  	v4 =	vmul.u32 $0x18, v4  }
0x23: {  	v3 =	vand.u32 $0x7, v3  }
0x24: {  	v3 =	vor.u32 v3, v4  }
0x25: {  	v4 =	vperm.xlane v3, v0;
	_ =	sdelay $0x1  }
0x26: {  	v4 =	vadd.s32 v1, v4;
	_ =	sdelay $0x1  }
0x27: {  	v3 =	vperm.xlane v3, v2;
	_ =	sdelay $0x1  }
0x28: {  	v3 =	vadd.s32 v1, v3  }
0x29: {  	[hbm4b:s3+s2] =	stream.indirect_vreg.scatter [tilespmem:s7], [sflag:$0x1], $0x80, v4, vm0, $0xb8;
	[tilespmem:$0xC080] =	vst v63  }
0x2a: {  	s0 =	rddreg [dreg:$0x4]  }
0x2b: {  	[hbm4b:s4+s2] =	stream.indirect_vreg.scatter [tilespmem:s0], [sflag:$0x1], $0x80, v4, vm1, $0xb8;
	[tilespmem:$0xC080] =	vst v63  }
0x2c: {  	s8 =	rddreg [dreg:$0x5]  }
0x2d: {  	[hbm4b:s3+s2] =	stream.indirect_vreg.scatter [tilespmem:s8], [sflag:$0x1], $0x80, v3, vm0, $0xb8;
	[tilespmem:$0xC080] =	vst v63  }
0x2e: {  	s0 =	rddreg [dreg:$0x6]  }
0x2f: {  	[hbm4b:s4+s2] =	stream.indirect_vreg.scatter [tilespmem:s0], [sflag:$0x1], $0x80, v3, vm1, $0xb8;
	[tilespmem:$0xC080] =	vst v63  }
0x30: {  	v3 =	vld [tilespmem:$0x10];
	_ =	sdelay $0x4  }
0x31: {  	v57 =	vshrl.u32 v3, $0x3  }
0x32: {  	v4 =	vmul.u32 $0x18, v57  }
0x33: {  	v3 =	vand.u32 $0x7, v3  }
0x34: {  	v3 =	vor.u32 v3, v4  }
0x35: {  	v4 =	vperm.xlane v3, v0;
	_ =	sdelay $0x1  }
0x36: {  	v4 =	vadd.s32 v1, v4;
	_ =	sdelay $0x1  }
0x37: {  	v3 =	vperm.xlane v3, v2;
	_ =	sdelay $0x1  }
0x38: {  	s0 =	rddreg [dreg:$0x7];
	v3 =	vadd.s32 v1, v3  }
0x39: {  	[hbm4b:s3+s2] =	stream.indirect_vreg.scatter [tilespmem:s0], [sflag:$0x1], $0x80, v4, vm0, $0xb8;
	[tilespmem:$0xC080] =	vst v63  }
0x3a: {  	s8 =	rddreg [dreg:$0x8]  }
0x3b: {  	[hbm4b:s4+s2] =	stream.indirect_vreg.scatter [tilespmem:s8], [sflag:$0x1], $0x80, v4, vm1, $0xb8;
	[tilespmem:$0xC080] =	vst v63  }
0x3c: {  	s0 =	rddreg [dreg:$0x9]  }
0x3d: {  	[hbm4b:s3+s2] =	stream.indirect_vreg.scatter [tilespmem:s0], [sflag:$0x1], $0x80, v3, vm0, $0xb8;
	[tilespmem:$0xC080] =	vst v63  }
0x3e: {  	s8 =	rddreg [dreg:$0xa]  }
0x3f: {  	[hbm4b:s4+s2] =	stream.indirect_vreg.scatter [tilespmem:s8], [sflag:$0x1], $0x80, v3, vm1, $0xb8;
	[tilespmem:$0xC080] =	vst v63  }
0x40: {  	v3 =	vld [tilespmem:$0x20];
	_ =	sdelay $0x4  }
0x41: {  	v58 =	vshrl.u32 v3, $0x3  }
0x42: {  	v4 =	vmul.u32 $0x18, v58  }
0x43: {  	v3 =	vand.u32 $0x7, v3  }
0x44: {  	v3 =	vor.u32 v3, v4  }
0x45: {  	v4 =	vperm.xlane v3, v0;
	_ =	sdelay $0x1  }
0x46: {  	v4 =	vadd.s32 v1, v4;
	_ =	sdelay $0x1  }
0x47: {  	v3 =	vperm.xlane v3, v2;
	_ =	sdelay $0x1  }
0x48: {  	s8 =	rddreg [dreg:$0xb];
	v3 =	vadd.s32 v1, v3  }
0x49: {  	[hbm4b:s3+s2] =	stream.indirect_vreg.scatter [tilespmem:s8], [sflag:$0x1], $0x80, v4, vm0, $0xb8;
	[tilespmem:$0xC080] =	vst v63  }
0x4a: {  	s8 =	simm.s32 $0x3880  }
0x4b: {  	[hbm4b:s4+s2] =	stream.indirect_vreg.scatter [tilespmem:s8], [sflag:$0x1], $0x80, v4, vm1, $0xb8;
	[tilespmem:$0xC080] =	vst v63  }
0x4c: {  	_ = 	snop  }
0x4d: {  	[hbm4b:s3+s2] =	stream.indirect_vreg.scatter [tilespmem:s9], [sflag:$0x1], $0x80, v3, vm0, $0xb8;
	[tilespmem:$0xC080] =	vst v63  }
0x4e: {  	_ = 	snop  }
0x4f: {  	[hbm4b:s4+s2] =	stream.indirect_vreg.scatter [tilespmem:s10], [sflag:$0x1], $0x80, v3, vm1, $0xb8;
	[tilespmem:$0xC080] =	vst v63  }
0x50: {  	v3 =	vld [tilespmem:$0x30];
	_ =	sdelay $0x4  }
0x51: {  	v59 =	vshrl.u32 v3, $0x3  }
0x52: {  	v4 =	vmul.u32 $0x18, v59  }
0x53: {  	v3 =	vand.u32 $0x7, v3  }
0x54: {  	v3 =	vor.u32 v3, v4  }
0x55: {  	v4 =	vperm.xlane v3, v0;
	_ =	sdelay $0x1  }
0x56: {  	v4 =	vadd.s32 v1, v4;
	_ =	sdelay $0x1  }
0x57: {  	v3 =	vperm.xlane v3, v2;
	_ =	sdelay $0x1  }
0x58: {  	v3 =	vadd.s32 v1, v3  }
0x59: {  	[hbm4b:s3+s2] =	stream.indirect_vreg.scatter [tilespmem:s11], [sflag:$0x1], $0x80, v4, vm0, $0xb8;
	[tilespmem:$0xC080] =	vst v63  }
0x5a: {  	_ = 	snop  }
0x5b: {  	[hbm4b:s4+s2] =	stream.indirect_vreg.scatter [tilespmem:s12], [sflag:$0x1], $0x80, v4, vm1, $0xb8;
	[tilespmem:$0xC080] =	vst v63  }
0x5c: {  	_ = 	snop  }
0x5d: {  	[hbm4b:s3+s2] =	stream.indirect_vreg.scatter [tilespmem:s13], [sflag:$0x1], $0x80, v3, vm0, $0xb8;
	[tilespmem:$0xC080] =	vst v63  }
0x5e: {  	_ = 	snop  }
0x5f: {  	[hbm4b:s4+s2] =	stream.indirect_vreg.scatter [tilespmem:s14], [sflag:$0x1], $0x80, v3, vm1, $0xb8;
	[tilespmem:$0xC080] =	vst v63  }
0x60: {  	v3 =	vld [tilespmem:$0x40];
	_ =	sdelay $0x4  }
0x61: {  	v60 =	vshrl.u32 v3, $0x3  }
0x62: {  	v4 =	vmul.u32 $0x18, v60  }
0x63: {  	v3 =	vand.u32 $0x7, v3  }
0x64: {  	v3 =	vor.u32 v3, v4  }
0x65: {  	v4 =	vperm.xlane v3, v0;
	_ =	sdelay $0x1  }
0x66: {  	v4 =	vadd.s32 v1, v4;
	_ =	sdelay $0x1  }
0x67: {  	v3 =	vperm.xlane v3, v2;
	_ =	sdelay $0x1  }
0x68: {  	v3 =	vadd.s32 v1, v3  }
0x69: {  	[hbm4b:s3+s2] =	stream.indirect_vreg.scatter [tilespmem:s15], [sflag:$0x1], $0x80, v4, vm0, $0xb8;
	[tilespmem:$0xC080] =	vst v63  }
0x6a: {  	_ = 	snop  }
0x6b: {  	[hbm4b:s4+s2] =	stream.indirect_vreg.scatter [tilespmem:s16], [sflag:$0x1], $0x80, v4, vm1, $0xb8;
	[tilespmem:$0xC080] =	vst v63  }
0x6c: {  	_ = 	snop  }
0x6d: {  	[hbm4b:s3+s2] =	stream.indirect_vreg.scatter [tilespmem:s17], [sflag:$0x1], $0x80, v3, vm0, $0xb8;
	[tilespmem:$0xC080] =	vst v63  }
0x6e: {  	_ = 	snop  }
0x6f: {  	[hbm4b:s4+s2] =	stream.indirect_vreg.scatter [tilespmem:s18], [sflag:$0x1], $0x80, v3, vm1, $0xb8;
	[tilespmem:$0xC080] =	vst v63  }
0x70: {  	v3 =	vld [tilespmem:$0x50];
	_ =	sdelay $0x4  }
0x71: {  	v61 =	vshrl.u32 v3, $0x3  }
0x72: {  	v4 =	vmul.u32 $0x18, v61  }
0x73: {  	v3 =	vand.u32 $0x7, v3  }
0x74: {  	v3 =	vor.u32 v3, v4  }
0x75: {  	v4 =	vperm.xlane v3, v0;
	_ =	sdelay $0x1  }
0x76: {  	v4 =	vadd.s32 v1, v4;
	_ =	sdelay $0x1  }
0x77: {  	v3 =	vperm.xlane v3, v2;
	_ =	sdelay $0x1  }
0x78: {  	v3 =	vadd.s32 v1, v3  }
0x79: {  	[hbm4b:s3+s2] =	stream.indirect_vreg.scatter [tilespmem:s19], [sflag:$0x1], $0x80, v4, vm0, $0xb8;
	[tilespmem:$0xC080] =	vst v63  }
0x7a: {  	_ = 	snop  }
0x7b: {  	[hbm4b:s4+s2] =	stream.indirect_vreg.scatter [tilespmem:s20], [sflag:$0x1], $0x80, v4, vm1, $0xb8;
	[tilespmem:$0xC080] =	vst v63  }
0x7c: {  	_ = 	snop  }
0x7d: {  	[hbm4b:s3+s2] =	stream.indirect_vreg.scatter [tilespmem:s21], [sflag:$0x1], $0x80, v3, vm0, $0xb8;
	[tilespmem:$0xC080] =	vst v63  }
0x7e: {  	_ = 	snop  }
0x7f: {  	[hbm4b:s4+s2] =	stream.indirect_vreg.scatter [tilespmem:s22], [sflag:$0x1], $0x80, v3, vm1, $0xb8;
	[tilespmem:$0xC080] =	vst v63  }
0x80: {  	v3 =	vld [tilespmem:$0x60];
	_ =	sdelay $0x4  }
0x81: {  	v62 =	vshrl.u32 v3, $0x3  }
0x82: {  	v4 =	vmul.u32 $0x18, v62  }
0x83: {  	v3 =	vand.u32 $0x7, v3  }
0x84: {  	v3 =	vor.u32 v3, v4  }
0x85: {  	v4 =	vperm.xlane v3, v0;
	_ =	sdelay $0x1  }
0x86: {  	v4 =	vadd.s32 v1, v4;
	_ =	sdelay $0x1  }
0x87: {  	v3 =	vperm.xlane v3, v2;
	_ =	sdelay $0x1  }
0x88: {  	v3 =	vadd.s32 v1, v3  }
0x89: {  	[hbm4b:s3+s2] =	stream.indirect_vreg.scatter [tilespmem:s23], [sflag:$0x1], $0x80, v4, vm0, $0xb8;
	[tilespmem:$0xC080] =	vst v63  }
0x8a: {  	_ = 	snop  }
0x8b: {  	[hbm4b:s4+s2] =	stream.indirect_vreg.scatter [tilespmem:s24], [sflag:$0x1], $0x80, v4, vm1, $0xb8;
	[tilespmem:$0xC080] =	vst v63  }
0x8c: {  	_ = 	snop  }
0x8d: {  	[hbm4b:s3+s2] =	stream.indirect_vreg.scatter [tilespmem:s25], [sflag:$0x1], $0x80, v3, vm0, $0xb8;
	[tilespmem:$0xC080] =	vst v63  }
0x8e: {  	_ = 	snop  }
0x8f: {  	[hbm4b:s4+s2] =	stream.indirect_vreg.scatter [tilespmem:s26], [sflag:$0x1], $0x80, v3, vm1, $0xb8;
	[tilespmem:$0xC080] =	vst v63  }
0x90: {  	v3 =	vld [tilespmem:$0x70];
	_ =	sdelay $0x4  }
0x91: {  	v63 =	vshrl.u32 v3, $0x3  }
0x92: {  	v4 =	vmul.u32 $0x18, v63  }
0x93: {  	v3 =	vand.u32 $0x7, v3  }
0x94: {  	v3 =	vor.u32 v3, v4  }
0x95: {  	v4 =	vperm.xlane v3, v0;
	_ =	sdelay $0x1  }
0x96: {  	v4 =	vadd.s32 v1, v4;
	_ =	sdelay $0x1  }
0x97: {  	v3 =	vperm.xlane v3, v2;
	_ =	sdelay $0x1  }
0x98: {  	v3 =	vadd.s32 v1, v3  }
0x99: {  	[hbm4b:s3+s2] =	stream.indirect_vreg.scatter [tilespmem:s28], [sflag:$0x1], $0x80, v4, vm0, $0xb8;
	[tilespmem:$0xC080] =	vst v63  }
0x9a: {  	_ = 	snop  }
0x9b: {  	[hbm4b:s4+s2] =	stream.indirect_vreg.scatter [tilespmem:s29], [sflag:$0x1], $0x80, v4, vm1, $0xb8;
	[tilespmem:$0xC080] =	vst v63  }
0x9c: {  	p0 =	sne.s32 s5, $0x1  }
0x9d: {  	[hbm4b:s3+s2] =	stream.indirect_vreg.scatter [tilespmem:s30], [sflag:$0x1], $0x80, v3, vm0, $0xb8;
	[tilespmem:$0xC080] =	vst v63  }
.Ltmp0:
0x9e: {  	_ = 	snop;
	(pc) =	sbr.rel @p0 .LBB2_1-.Ltmp0, $4  }
0x9f: {  	[hbm4b:s4+s2] =	stream.indirect_vreg.scatter [tilespmem:s31], [sflag:$0x1], $0x80, v3, vm1, $0xb8;
	[tilespmem:$0xC080] =	vst v63  }
0xa0: {  	_ =	swait.ge [sflag:s1], $0xC000  }
0xa1: {  	[sflag:s1] =	ssyncset.done $0x0  }
0xa2: {  	s5 =	sadd.s32 $0xFFFFFFFF, s5;
	[sflag:s1] =	ssyncadd.s32 $0xFFFF4000  }
0xa3: {  	_ =	sfence.sel $0x180000  }
0xa4: {  	[bflag:$0x0] =	sbarrier.arrive $0xFFFF  }
0xa5: {  	_ =	strace $0x90000047  }
0xa6: {  	s0 =	stileid.u32;
	[bflag:$0x2] =	sbarrier.arrive $0xFFFF  }
0xa7: {  	p0 =	sne.s32 s0, $0x0;
	s0 =	rddreg [dreg:$0x1]  }
0xa8: {  	s0 =	sadd.s32 @!p0 $0x100000, s0  }
0xa9: {  	[sflag:s0] =	ssyncadd.tile.s32 @!p0 $0x1;
	_ =	shalt  }
.Lfunc_end2:
_tile_overlayer_lowered:
.L_overlay_start_2:
0xaa: {  	(tag) =	ssettag $0x2  }
0xab: {  	s0 =	rddreg [dreg:$0x0];
	s2 =	stileid.u32  }
0xac: {  	s1 =	rddreg [dreg:$0x1];
	p0 =	sne.s32 s2, $0x0  }
0xad: {  	s3 =	rddreg [dreg:$0x2];
	[bflag:$0x3] =	sbarrier.arrive $0xFFFF;
	s2 =	simm.s32 @!p0 $0x1C02  }
0xae: {  	[timem:s3], [sflag:s2] =	dma.local @!p0 [hbm:s0], s1  }
0xaf: {  	s0 =	simm.s32 @!p0 $0x2  }
0xb0: {  	_ =	swait.ge @!p0 [sflag:s0], s1  }
0xb1: {  	s1 =	ssub.s32 @!p0 $0x0, s1;
	[sflag:s0] =	ssyncset.done @!p0 $0x0  }
0xb2: {  	[sflag:s0] =	ssyncadd.s32 @!p0 s1  }
0xb3: {  	[bflag:$0x3] =	sbarrier.arrive $0xFFFF  }
0xb4: {  	_ =	shalt  }

// kernel: kernel.16.cloned.1.call-start
scs
__scs_entry_jumppad:
0x0: {  	(pc) =	sbr.rel $0x88, $3  }
0x1: {  	(tag) =	ssettag $0x0;
	lr =	simm.s32 $0x1  }
0x2: {  	[smem:$0x3F87] =	sst lr;
	_ =	strace $0xD0000000  }
0x3: {  	_ = 	snop  }
0x4: {  	_ = 	snop  }
0x5: {  	_ = 	snop  }
0x6: {  	_ = 	snop  }
0x7: {  	_ = 	snop  }
__scs_overlays_trampoline_lowered:
0x8: {  	[smem:$0x3F96] =	sst s0  }
0x9: {  	[smem:$0x3F97] =	sst s1  }
0xa: {  	[smem:$0x3F98] =	sst s2  }
0xb: {  	[smem:$0x3F99] =	sst s3  }
0xc: {  	[smem:$0x3F9A] =	sst s4  }
0xd: {  	[smem:$0x3F9B] =	sst s5  }
0xe: {  	[smem:$0x3F9C] =	sst s6  }
0xf: {  	[smem:$0x3F9D] =	sst s7  }
0x10: {  	[smem:$0x3F9E] =	sst s8  }
0x11: {  	[smem:$0x3F9F] =	sst s9;
	s0 =	simm.s32 @!p0 $0x0  }
0x12: {  	s1 =	sld [smem:$0x3F85];
	s0 =	simm.s32 @p0 $0x1  }
0x13: {  	[smem:$0x3FA0] =	sst s0;
	s0 =	simm.s32 @!p1 $0x0  }
0x14: {  	s2 =	sld [smem:$0x3F84];
	s0 =	simm.s32 @p1 $0x1  }
0x15: {  	[smem:$0x3FA1] =	sst s0;
	s0 =	simm.s32 @!p2 $0x0  }
0x16: {  	s3 =	sld [smem:$0x3FDB];
	s0 =	simm.s32 @p2 $0x1  }
0x17: {  	s4 =	simm.s32 $0x1BF5;
	[smem:$0x3FA3] =	sst s0  }
0x18: {  	s0 =	sld [smem:$0x3F86];
	_ =	swait.ge [sflag:s4], $0x0  }
0x19: {  	s7 =	sld [smem:$0x3F87]  }
0x1a: {  	s8 =	sadd.s32 $0xFFFFE003, lr  }
0x1b: {  	s9 =	sadd.s32 $0xFFFFFEF7, lr;
	s5 =	simm.s32 $0xFFFFFFFF;
	p2 =	slt.u32 s8, $0xFFFFF086  }
0x1c: {  	p1 =	slt.u32 s9, $0xF7A;
	s5 =	simm.s32 @!p2 $0x0  }
0x1d: {  	s5 =	simm.s32 @p1 $0x1;
	p0 =	seq.s32 s7, s2  }
0x1e: {  	s7 =	smul.u32 @!p0 $0xF7A, s2;
	p2 =	seq.s32 @!p0 s5, $0x0  }
0x1f: {  	s9 =	smul.u32 $0xF7A, s1;
	s8 =	simm.s32 @!p0 $0x1BF5;
	p2 =	por !p2, p0  }
0x20: {  	[sflag:s8] =	ssyncset.s32 @!p0 $0xFFFFF086;
	s6 =	sadd.s32 @!p0 s3, s7;
	s7 =	simm.s32 @!p0 $0x108  }
0x21: {  	s3 =	sadd.s32 s3, s9;
	s6 =	sadd.s32 @!p0 $0x88, s6;
	s7 =	simm.s32 @p2 $0x1082  }
0x22: {  	[simem:s7], [sflag:s8] =	dma.local @!p0 [hbm:s6], $0xF7A  }
0x23: {  	s9 =	sor.u32 $0xD0000000, s2;
	s6 =	simm.s32 $0x108;
	_ =	swait.ge @!p0 [sflag:s8], $0x0  }
0x24: {  	s3 =	sadd.s32 $0x88, s3;
	s6 =	simm.s32 @!p1 $0x1082;
	[sflag:s4] =	ssyncset.s32 $0xFFFFF086  }
0x25: {  	[simem:s6], [sflag:s4] =	dma.local [hbm:s3], $0xF7A  }
0x26: {  	[smem:$0x3F87] =	sst s1;
	(tag) =	ssettag s2;
	_ =	strace s9  }
0x27: {  	s1 =	sld [smem:$0x3F97]  }
0x28: {  	s2 =	sld [smem:$0x3F98]  }
0x29: {  	s4 =	sld [smem:$0x3F9A]  }
0x2a: {  	p0 =	seq.s32 s5, $0x0;
	s5 =	sld [smem:$0x3F9B]  }
0x2b: {  	s6 =	sld [smem:$0x3F9C]  }
0x2c: {  	s7 =	sld [smem:$0x3F9D]  }
0x2d: {  	s3 =	simm.s32 $0x108;
	s8 =	sld [smem:$0x3F9E]  }
0x2e: {  	s3 =	simm.s32 @!p0 $0x1082;
	s9 =	sld [smem:$0x3F9F]  }
0x2f: {  	lr =	sadd.s32 s0, s3;
	s0 =	sld [smem:$0x3F96]  }
0x30: {  	s3 =	sld [smem:$0x3F99]  }
0x31: {  	[smem:$0x3FA2] =	sst s10  }
0x32: {  	s10 =	sld [smem:$0x3FA0];
	_ =	sdelay $0x3  }
0x33: {  	p0 =	seq.s32 s10, $0x1;
	s10 =	sld [smem:$0x3FA2];
	_ =	sdelay $0x3  }
0x34: {  	[smem:$0x3FA2] =	sst s10  }
0x35: {  	s10 =	sld [smem:$0x3FA1];
	_ =	sdelay $0x3  }
0x36: {  	p1 =	seq.s32 s10, $0x1;
	s10 =	sld [smem:$0x3FA2];
	_ =	sdelay $0x3  }
0x37: {  	[smem:$0x3FA2] =	sst s10  }
0x38: {  	s10 =	sld [smem:$0x3FA3]  }
0x39: {  	_ = 	snop;
	(pc) =	sbr.ind lr, $3  }
0x3a: {  	_ = 	snop  }
0x3b: {  	_ = 	snop  }
0x3c: {  	p2 =	seq.s32 s10, $0x1;
	s10 =	sld [smem:$0x3FA2]  }
0x3d: {  	_ =	shalt  }
0x3e: {  	_ =	shalt  }
0x3f: {  	_ =	shalt  }
0x40: {  	_ =	shalt  }
0x41: {  	_ =	shalt  }
0x42: {  	_ =	shalt  }
0x43: {  	_ =	shalt  }
0x44: {  	_ =	shalt  }
0x45: {  	_ =	shalt  }
0x46: {  	_ =	shalt  }
0x47: {  	_ =	shalt  }
0x48: {  	_ =	shalt  }
0x49: {  	_ =	shalt  }
0x4a: {  	_ =	shalt  }
0x4b: {  	_ =	shalt  }
0x4c: {  	_ =	shalt  }
0x4d: {  	_ =	shalt  }
0x4e: {  	_ =	shalt  }
0x4f: {  	_ =	shalt  }
0x50: {  	_ =	shalt  }
0x51: {  	_ =	shalt  }
0x52: {  	_ =	shalt  }
0x53: {  	_ =	shalt  }
0x54: {  	_ =	shalt  }
0x55: {  	_ =	shalt  }
0x56: {  	_ =	shalt  }
0x57: {  	_ =	shalt  }
0x58: {  	_ =	shalt  }
0x59: {  	_ =	shalt  }
0x5a: {  	_ =	shalt  }
0x5b: {  	_ =	shalt  }
0x5c: {  	_ =	shalt  }
0x5d: {  	_ =	shalt  }
0x5e: {  	_ =	shalt  }
0x5f: {  	_ =	shalt  }
0x60: {  	_ =	shalt  }
0x61: {  	_ =	shalt  }
0x62: {  	_ =	shalt  }
0x63: {  	_ =	shalt  }
0x64: {  	_ =	shalt  }
0x65: {  	_ =	shalt  }
0x66: {  	_ =	shalt  }
0x67: {  	_ =	shalt  }
0x68: {  	_ =	shalt  }
0x69: {  	_ =	shalt  }
0x6a: {  	_ =	shalt  }
0x6b: {  	_ =	shalt  }
0x6c: {  	_ =	shalt  }
0x6d: {  	_ =	shalt  }
0x6e: {  	_ =	shalt  }
0x6f: {  	_ =	shalt  }
0x70: {  	_ =	shalt  }
0x71: {  	_ =	shalt  }
0x72: {  	_ =	shalt  }
0x73: {  	_ =	shalt  }
0x74: {  	_ =	shalt  }
0x75: {  	_ =	shalt  }
0x76: {  	_ =	shalt  }
0x77: {  	_ =	shalt  }
0x78: {  	_ =	shalt  }
0x79: {  	_ =	shalt  }
0x7a: {  	_ =	shalt  }
0x7b: {  	_ =	shalt  }
0x7c: {  	_ =	shalt  }
0x7d: {  	_ =	shalt  }
0x7e: {  	_ =	shalt  }
0x7f: {  	_ =	shalt  }
0x80: {  	_ =	shalt  }
0x81: {  	_ =	shalt  }
0x82: {  	_ =	shalt  }
0x83: {  	_ =	shalt  }
0x84: {  	_ =	shalt  }
0x85: {  	_ =	shalt  }
0x86: {  	_ =	shalt  }
0x87: {  	_ =	shalt  }
.Lfunc_end0:
.L_simem_size_0:
called_computation.1_lowered:
.L_overlay_start_0:
0x88: {  	s2 =	sld [smem:$0x3FD9]  }
0x89: {  	s3 =	sld [smem:$0x3FFE];
	_ =	sdelay $0x1  }
0x8a: {  	s1 =	srdreg.scid  }
0x8b: {  	s0 =	sand.u32 $0x1, s1  }
0x8c: {  	s16 =	sshll.u32 s0, $0xA;
	s2 =	sadd.s32 s3, s2  }
0x8d: {  	s2 =	sadd.s32 s2, s16  }
0x8e: {  	[smem:$0x3FAE] =	sst s2  }
0x8f: {  	_ = 	snop  }
0x90: {  	(tm) =	ssettm $0x1  }
0x91: {  	s17 =	sld [smem:$0x3FFB];
	_ =	sdelay $0x3  }
0x92: {  	_ =	strace s17  }
0x93: {  	s2 =	sld [smem:$0x3FFC];
	_ =	sdelay $0x3  }
0x94: {  	_ =	strace s2  }
0x95: {  	s2 =	sld [smem:$0x3FFD];
	_ =	sdelay $0x3  }
0x96: {  	_ =	strace s2  }
0x97: {  	_ =	strace $0x8FFFFFFF  }
0x98: {  	s18 =	sld [smem:$0x3FDB];
	_ =	sdelay $0x1  }
0x99: {  	s19 =	simm.s32 $_scs_section_size  }
0x9a: {  	s4 =	simm.s32 $_size__tile_overlayer_lowered;
	s5 =	simm.s32 $_tile_overlayer_lowered  }
0x9b: {  	s22 =	simm.s32 $0x1BFF;
	s21 =	sshll.u32 s5, $0x1;
	s2 =	sadd.s32 s19, s18  }
0x9c: {  	s6 =	simm.s32 $0x0;
	s20 =	sshll.u32 s4, $0x1;
	s4 =	sadd.s32 s21, s2  }
0x9d: {  	[timem:s6], [sflag:s22] =	dma.local [hbm:s4], s20  }
0x9e: {  	_ =	swait.ge [sflag:s22], s20  }
0x9f: {  	s3 =	ssub.s32 $0x0, s20;
	[sflag:s22] =	ssyncset.done $0x0  }
0xa0: {  	[sflag:s22] =	ssyncadd.s32 s3;
	_ =	sdelay $0x1  }
0xa1: {  	s23 =	simm.s32 $0x1B8B  }
0xa2: {  	_ =	swait.ge [sflag:s23], $0x1  }
0xa3: {  	[sflag:s23] =	ssyncset.done $0x0  }
0xa4: {  	s25 =	simm.s32 $0x1B8E;
	s24 =	sld [smem:$0x3FFE];
	[sflag:s23] =	ssyncadd.s32 $0xFFFFFFFF  }
0xa5: {  	s26 =	simm.s32 $execute0_lowered;
	[smem:$0x3FD2] =	sst s25  }
0xa6: {  	s4 =	sshll.u32 s26, $0x1;
	_ =	strace $0x80000049;
	[dreg:$0x1] =	wrdreg $0xFFFFFFFF  }
0xa7: {  	s28 =	simm.s32 $_size_execute0_lowered;
	s2 =	sadd.s32 s2, s4;
	[dreg:$0x0] =	wrdreg $0x0  }
0xa8: {  	s4 =	sshll.u32 s28, $0x1;
	[dreg:$0x2] =	wrdreg s2  }
0xa9: {  	[dreg:$0x3] =	wrdreg s4  }
0xaa: {  	[dreg:$0x4] =	wrdreg $0xC0  }
0xab: {  	_ =	task [dreg:s6], $0x5FFFF  }
0xac: {  	[dreg:$0x1] =	wrdreg $0xFFFFFFFF  }
0xad: {  	[dreg:$0x0] =	wrdreg $0x60  }
0xae: {  	[dreg:$0x2] =	wrdreg s24  }
0xaf: {  	[dreg:$0x3] =	wrdreg $0x9  }
0xb0: {  	_ =	task.clear_ibuf [dreg:s6], $0x4FFFF;
	_ =	strace $0x90000049  }
0xb1: {  	s29 =	simm.s32 $0x9;
	_ =	strace $0x8000004B  }
0xb2: {  	_ =	swait.ge [sflag:s29], $0x1  }
0xb3: {  	[sflag:s29] =	ssyncadd.s32 $0xFFFFFFFF  }
0xb4: {  	_ =	strace $0x9000004B  }
0xb5: {  	_ =	sfence  }
0xb6: {  	s30 =	sld [smem:$0x0];
	_ =	sdelay $0x2  }
0xb7: {  	s31 =	sshll.u32 s1, $0xD;
	s1 =	sshrl.u32 s1, $0x2  }
0xb8: {  	s3 =	sand.u32 $0x4000, s31;
	s1 =	sadd.s32 s1, s30  }
0xb9: {  	s0 =	sor.u32 s3, s0;
	s1 =	sshll.u32 s1, $0x11  }
0xba: {  	s0 =	sor.u32 s1, s0  }
0xbb: {  	s0 =	sadd.s32 $0x8F2B, s0  }
0xbc: {  	[sflag:s0] =	ssyncadd.remote.s32 $0x1  }
0xbd: {  	_ =	sfence.sel $0xFFFF  }
0xbe: {  	[dreg:$0x0] =	wrdreg $0xFFFFFFFF;
	(pc) =	sbr.abs _section_cstart, $3  }
0xbf: {  	[dreg:$0x1] =	wrdreg $0xFFFFFFFF  }
0xc0: {  	_ =	task.clear_ibuf [dreg:s6], $0x2FFFF;
	_ =	strace $0x9FFFFFFF  }
0xc1: {  	(tm) =	ssettm $0x7FFFFFFF  }
tec
execute0_lowered:
.L_overlay_start_1:
0x0: {  	(tag) =	ssettag $0x1  }
0x1: {  	s1 =	srdreg.scid  }
0x2: {  	s0 =	stileid.u32;
	s4 =	rddreg [dreg:$0x0];
	s19 =	simm.s32 $0x880  }
0x3: {  	s20 =	simm.s32 $0xC80;
	s21 =	simm.s32 $0x1480;
	s22 =	simm.s32 $0x1880  }
0x4: {  	s23 =	simm.s32 $0x2080;
	s24 =	simm.s32 $0x2480;
	s25 =	simm.s32 $0x2C80  }
0x5: {  	s26 =	simm.s32 $0x3080;
	s7 =	simm.s32 $0x80;
	s9 =	simm.s32 $0x3C80  }
0x6: {  	s10 =	simm.s32 $0x4480;
	s11 =	simm.s32 $0x4880;
	s1 =	sand.u32 $0x1, s1  }
0x7: {  	s12 =	simm.s32 $0x5080;
	s2 =	sshll.u32 s0, $0x5;
	s3 =	sshll.u32 s1, $0x4  }
0x8: {  	s13 =	simm.s32 $0x5480;
	s3 =	sor.u32 s3, s2;
	s2 =	simm.s32 $0x0  }
0x9: {  	s14 =	simm.s32 $0x5C80;
	s15 =	simm.s32 $0x6080;
	[smem:$0x7FF] =	sst s2  }
0xa: {  	s16 =	simm.s32 $0x6880;
	_ =	strace $0x8000004A;
	[dreg:$0x4] =	wrdreg s19  }
0xb: {  	s17 =	simm.s32 $0x6C80;
	s28 =	simm.s32 $0xA880;
	[dreg:$0x5] =	wrdreg s20  }
0xc: {  	s29 =	simm.s32 $0xB080;
	s30 =	simm.s32 $0xB480;
	[dreg:$0x6] =	wrdreg s21  }
0xd: {  	s31 =	simm.s32 $0xBC80;
	s1 =	ssub.s32 $0x2, s1;
	[dreg:$0x7] =	wrdreg s22  }
0xe: {  	s6 =	sshrl.u32 s1, $0x1;
	s5 =	smul.u32 $0x180, s3;
	[dreg:$0x8] =	wrdreg s23  }
0xf: {  	s3 =	sadd.s32 s3, s4;
	s1 =	ssub.s32 s1, s6;
	[dreg:$0x9] =	wrdreg s24  }
0x10: {  	s6 =	simm.s32 $0x2;
	s3 =	sadd.s32 $0x45200, s3;
	[dreg:$0xa] =	wrdreg s25  }
0x11: {  	[dreg:$0xb] =	wrdreg s26;
	s19 =	simm.s32 $0x7880;
	s20 =	simm.s32 $0x8080  }
0x12: {  	s21 =	simm.s32 $0x8480;
	s22 =	simm.s32 $0x8C80;
	s23 =	simm.s32 $0x9080  }
0x13: {  	s24 =	simm.s32 $0x9880;
	s25 =	simm.s32 $0x9C80;
	s26 =	simm.s32 $0xA480  }
0x14: {  	v2 =	vlaneseq.u32;
	s5 =	sadd.s32 s5, s4;
	[dreg:$0x2] =	wrdreg s3;
	s3 =	sadd.s32 $0x45400, s4  }
0x15: {  	vm0 =	vmmov $0xffff;
	vm1 =	vmmov $0xff;
	v1 =	vshrl.u32 v2, $0x3;
	s4 =	sadd.s32 $0x45500, s4;
	s18 =	sadd.s32 $0x5200, s5;
	s5 =	smax.u32 s1, $0x1  }
0x16: {  	v0 =	vand.u32 $0x7, v2;
	v2 =	vor.u32 $0x8, v2;
	v1 =	vmul.u32 $0x8, v1;
	s1 =	simm.s32 $0x1;
	[dreg:$0x3] =	wrdreg s18;
	s18 =	simm.s32 $0x7480  }
.LBB2_1:
0x17: {  	s0 =	rddreg [dreg:$0x2]  }
0x18: {  	[tilespmem:s2], [sflag:$0x2] =	stream.linear.gather [hbm4b:s0+s2], $0x80, $0x38;
	[tilespmem:$0xC080] =	vst v63  }
0x19: {  	_ =	swait.ge [sflag:s6], $0x80  }
0x1a: {  	[sflag:s6] =	ssyncset.done $0x0  }
0x1b: {  	[sflag:s6] =	ssyncadd.s32 $0xFFFFFF80  }
0x1c: {  	v3 =	vld [tilespmem:$0x0];
	_ =	sdelay $0x4  }
0x1d: {  	v4 =	vshrl.u32 v3, $0x3  }
0x1e: {  	v4 =	vmul.u32 $0x18, v4  }
0x1f: {  	v3 =	vand.u32 $0x7, v3  }
0x20: {  	v3 =	vor.u32 v3, v4  }
0x21: {  	v4 =	vperm.xlane v3, v0;
	_ =	sdelay $0x1  }
0x22: {  	v4 =	vadd.s32 v1, v4;
	_ =	sdelay $0x1  }
0x23: {  	v3 =	vperm.xlane v3, v2;
	_ =	sdelay $0x1  }
0x24: {  	v3 =	vadd.s32 v1, v3  }
0x25: {  	[tilespmem:s7], [sflag:$0x1] =	stream.indirect_vreg.gather [hbm4b:s3+s2], $0x80, v4, vm0, $0xb8;
	[tilespmem:$0xC080] =	vst v63  }
0x26: {  	s0 =	rddreg [dreg:$0x4]  }
0x27: {  	[tilespmem:s0], [sflag:$0x1] =	stream.indirect_vreg.gather [hbm4b:s4+s2], $0x80, v4, vm1, $0xb8;
	[tilespmem:$0xC080] =	vst v63  }
0x28: {  	s8 =	rddreg [dreg:$0x5]  }
0x29: {  	[tilespmem:s8], [sflag:$0x1] =	stream.indirect_vreg.gather [hbm4b:s3+s2], $0x80, v3, vm0, $0xb8;
	[tilespmem:$0xC080] =	vst v63  }
0x2a: {  	s0 =	rddreg [dreg:$0x6]  }
0x2b: {  	[tilespmem:s0], [sflag:$0x1] =	stream.indirect_vreg.gather [hbm4b:s4+s2], $0x80, v3, vm1, $0xb8;
	[tilespmem:$0xC080] =	vst v63  }
0x2c: {  	v3 =	vld [tilespmem:$0x10];
	_ =	sdelay $0x4  }
0x2d: {  	v57 =	vshrl.u32 v3, $0x3  }
0x2e: {  	v4 =	vmul.u32 $0x18, v57  }
0x2f: {  	v3 =	vand.u32 $0x7, v3  }
0x30: {  	v3 =	vor.u32 v3, v4  }
0x31: {  	v4 =	vperm.xlane v3, v0;
	_ =	sdelay $0x1  }
0x32: {  	v4 =	vadd.s32 v1, v4;
	_ =	sdelay $0x1  }
0x33: {  	v3 =	vperm.xlane v3, v2;
	_ =	sdelay $0x1  }
0x34: {  	s0 =	rddreg [dreg:$0x7];
	v3 =	vadd.s32 v1, v3  }
0x35: {  	[tilespmem:s0], [sflag:$0x1] =	stream.indirect_vreg.gather [hbm4b:s3+s2], $0x80, v4, vm0, $0xb8;
	[tilespmem:$0xC080] =	vst v63  }
0x36: {  	s8 =	rddreg [dreg:$0x8]  }
0x37: {  	[tilespmem:s8], [sflag:$0x1] =	stream.indirect_vreg.gather [hbm4b:s4+s2], $0x80, v4, vm1, $0xb8;
	[tilespmem:$0xC080] =	vst v63  }
0x38: {  	s0 =	rddreg [dreg:$0x9]  }
0x39: {  	[tilespmem:s0], [sflag:$0x1] =	stream.indirect_vreg.gather [hbm4b:s3+s2], $0x80, v3, vm0, $0xb8;
	[tilespmem:$0xC080] =	vst v63  }
0x3a: {  	s8 =	rddreg [dreg:$0xa]  }
0x3b: {  	[tilespmem:s8], [sflag:$0x1] =	stream.indirect_vreg.gather [hbm4b:s4+s2], $0x80, v3, vm1, $0xb8;
	[tilespmem:$0xC080] =	vst v63  }
0x3c: {  	v3 =	vld [tilespmem:$0x20];
	_ =	sdelay $0x4  }
0x3d: {  	v58 =	vshrl.u32 v3, $0x3  }
0x3e: {  	v4 =	vmul.u32 $0x18, v58  }
0x3f: {  	v3 =	vand.u32 $0x7, v3  }
0x40: {  	v3 =	vor.u32 v3, v4  }
0x41: {  	v4 =	vperm.xlane v3, v0;
	_ =	sdelay $0x1  }
0x42: {  	v4 =	vadd.s32 v1, v4;
	_ =	sdelay $0x1  }
0x43: {  	v3 =	vperm.xlane v3, v2;
	_ =	sdelay $0x1  }
0x44: {  	s8 =	rddreg [dreg:$0xb];
	v3 =	vadd.s32 v1, v3  }
0x45: {  	[tilespmem:s8], [sflag:$0x1] =	stream.indirect_vreg.gather [hbm4b:s3+s2], $0x80, v4, vm0, $0xb8;
	[tilespmem:$0xC080] =	vst v63  }
0x46: {  	s8 =	simm.s32 $0x3880  }
0x47: {  	[tilespmem:s8], [sflag:$0x1] =	stream.indirect_vreg.gather [hbm4b:s4+s2], $0x80, v4, vm1, $0xb8;
	[tilespmem:$0xC080] =	vst v63  }
0x48: {  	_ = 	snop  }
0x49: {  	[tilespmem:s9], [sflag:$0x1] =	stream.indirect_vreg.gather [hbm4b:s3+s2], $0x80, v3, vm0, $0xb8;
	[tilespmem:$0xC080] =	vst v63  }
0x4a: {  	_ = 	snop  }
0x4b: {  	[tilespmem:s10], [sflag:$0x1] =	stream.indirect_vreg.gather [hbm4b:s4+s2], $0x80, v3, vm1, $0xb8;
	[tilespmem:$0xC080] =	vst v63  }
0x4c: {  	v3 =	vld [tilespmem:$0x30];
	_ =	sdelay $0x4  }
0x4d: {  	v59 =	vshrl.u32 v3, $0x3  }
0x4e: {  	v4 =	vmul.u32 $0x18, v59  }
0x4f: {  	v3 =	vand.u32 $0x7, v3  }
0x50: {  	v3 =	vor.u32 v3, v4  }
0x51: {  	v4 =	vperm.xlane v3, v0;
	_ =	sdelay $0x1  }
0x52: {  	v4 =	vadd.s32 v1, v4;
	_ =	sdelay $0x1  }
0x53: {  	v3 =	vperm.xlane v3, v2;
	_ =	sdelay $0x1  }
0x54: {  	v3 =	vadd.s32 v1, v3  }
0x55: {  	[tilespmem:s11], [sflag:$0x1] =	stream.indirect_vreg.gather [hbm4b:s3+s2], $0x80, v4, vm0, $0xb8;
	[tilespmem:$0xC080] =	vst v63  }
0x56: {  	_ = 	snop  }
0x57: {  	[tilespmem:s12], [sflag:$0x1] =	stream.indirect_vreg.gather [hbm4b:s4+s2], $0x80, v4, vm1, $0xb8;
	[tilespmem:$0xC080] =	vst v63  }
0x58: {  	_ = 	snop  }
0x59: {  	[tilespmem:s13], [sflag:$0x1] =	stream.indirect_vreg.gather [hbm4b:s3+s2], $0x80, v3, vm0, $0xb8;
	[tilespmem:$0xC080] =	vst v63  }
0x5a: {  	_ = 	snop  }
0x5b: {  	[tilespmem:s14], [sflag:$0x1] =	stream.indirect_vreg.gather [hbm4b:s4+s2], $0x80, v3, vm1, $0xb8;
	[tilespmem:$0xC080] =	vst v63  }
0x5c: {  	v3 =	vld [tilespmem:$0x40];
	_ =	sdelay $0x4  }
0x5d: {  	v60 =	vshrl.u32 v3, $0x3  }
0x5e: {  	v4 =	vmul.u32 $0x18, v60  }
0x5f: {  	v3 =	vand.u32 $0x7, v3  }
0x60: {  	v3 =	vor.u32 v3, v4  }
0x61: {  	v4 =	vperm.xlane v3, v0;
	_ =	sdelay $0x1  }
0x62: {  	v4 =	vadd.s32 v1, v4;
	_ =	sdelay $0x1  }
0x63: {  	v3 =	vperm.xlane v3, v2;
	_ =	sdelay $0x1  }
0x64: {  	v3 =	vadd.s32 v1, v3  }
0x65: {  	[tilespmem:s15], [sflag:$0x1] =	stream.indirect_vreg.gather [hbm4b:s3+s2], $0x80, v4, vm0, $0xb8;
	[tilespmem:$0xC080] =	vst v63  }
0x66: {  	_ = 	snop  }
0x67: {  	[tilespmem:s16], [sflag:$0x1] =	stream.indirect_vreg.gather [hbm4b:s4+s2], $0x80, v4, vm1, $0xb8;
	[tilespmem:$0xC080] =	vst v63  }
0x68: {  	_ = 	snop  }
0x69: {  	[tilespmem:s17], [sflag:$0x1] =	stream.indirect_vreg.gather [hbm4b:s3+s2], $0x80, v3, vm0, $0xb8;
	[tilespmem:$0xC080] =	vst v63  }
0x6a: {  	_ = 	snop  }
0x6b: {  	[tilespmem:s18], [sflag:$0x1] =	stream.indirect_vreg.gather [hbm4b:s4+s2], $0x80, v3, vm1, $0xb8;
	[tilespmem:$0xC080] =	vst v63  }
0x6c: {  	v3 =	vld [tilespmem:$0x50];
	_ =	sdelay $0x4  }
0x6d: {  	v61 =	vshrl.u32 v3, $0x3  }
0x6e: {  	v4 =	vmul.u32 $0x18, v61  }
0x6f: {  	v3 =	vand.u32 $0x7, v3  }
0x70: {  	v3 =	vor.u32 v3, v4  }
0x71: {  	v4 =	vperm.xlane v3, v0;
	_ =	sdelay $0x1  }
0x72: {  	v4 =	vadd.s32 v1, v4;
	_ =	sdelay $0x1  }
0x73: {  	v3 =	vperm.xlane v3, v2;
	_ =	sdelay $0x1  }
0x74: {  	v3 =	vadd.s32 v1, v3  }
0x75: {  	[tilespmem:s19], [sflag:$0x1] =	stream.indirect_vreg.gather [hbm4b:s3+s2], $0x80, v4, vm0, $0xb8;
	[tilespmem:$0xC080] =	vst v63  }
0x76: {  	_ = 	snop  }
0x77: {  	[tilespmem:s20], [sflag:$0x1] =	stream.indirect_vreg.gather [hbm4b:s4+s2], $0x80, v4, vm1, $0xb8;
	[tilespmem:$0xC080] =	vst v63  }
0x78: {  	_ = 	snop  }
0x79: {  	[tilespmem:s21], [sflag:$0x1] =	stream.indirect_vreg.gather [hbm4b:s3+s2], $0x80, v3, vm0, $0xb8;
	[tilespmem:$0xC080] =	vst v63  }
0x7a: {  	_ = 	snop  }
0x7b: {  	[tilespmem:s22], [sflag:$0x1] =	stream.indirect_vreg.gather [hbm4b:s4+s2], $0x80, v3, vm1, $0xb8;
	[tilespmem:$0xC080] =	vst v63  }
0x7c: {  	v3 =	vld [tilespmem:$0x60];
	_ =	sdelay $0x4  }
0x7d: {  	v62 =	vshrl.u32 v3, $0x3  }
0x7e: {  	v4 =	vmul.u32 $0x18, v62  }
0x7f: {  	v3 =	vand.u32 $0x7, v3  }
0x80: {  	v3 =	vor.u32 v3, v4  }
0x81: {  	v4 =	vperm.xlane v3, v0;
	_ =	sdelay $0x1  }
0x82: {  	v4 =	vadd.s32 v1, v4;
	_ =	sdelay $0x1  }
0x83: {  	v3 =	vperm.xlane v3, v2;
	_ =	sdelay $0x1  }
0x84: {  	v3 =	vadd.s32 v1, v3  }
0x85: {  	[tilespmem:s23], [sflag:$0x1] =	stream.indirect_vreg.gather [hbm4b:s3+s2], $0x80, v4, vm0, $0xb8;
	[tilespmem:$0xC080] =	vst v63  }
0x86: {  	_ = 	snop  }
0x87: {  	[tilespmem:s24], [sflag:$0x1] =	stream.indirect_vreg.gather [hbm4b:s4+s2], $0x80, v4, vm1, $0xb8;
	[tilespmem:$0xC080] =	vst v63  }
0x88: {  	_ = 	snop  }
0x89: {  	[tilespmem:s25], [sflag:$0x1] =	stream.indirect_vreg.gather [hbm4b:s3+s2], $0x80, v3, vm0, $0xb8;
	[tilespmem:$0xC080] =	vst v63  }
0x8a: {  	_ = 	snop  }
0x8b: {  	[tilespmem:s26], [sflag:$0x1] =	stream.indirect_vreg.gather [hbm4b:s4+s2], $0x80, v3, vm1, $0xb8;
	[tilespmem:$0xC080] =	vst v63  }
0x8c: {  	v3 =	vld [tilespmem:$0x70];
	_ =	sdelay $0x4  }
0x8d: {  	v63 =	vshrl.u32 v3, $0x3  }
0x8e: {  	v4 =	vmul.u32 $0x18, v63  }
0x8f: {  	v3 =	vand.u32 $0x7, v3  }
0x90: {  	v3 =	vor.u32 v3, v4  }
0x91: {  	v4 =	vperm.xlane v3, v0;
	_ =	sdelay $0x1  }
0x92: {  	v4 =	vadd.s32 v1, v4;
	_ =	sdelay $0x1  }
0x93: {  	v3 =	vperm.xlane v3, v2;
	_ =	sdelay $0x1  }
0x94: {  	v3 =	vadd.s32 v1, v3  }
0x95: {  	[tilespmem:s28], [sflag:$0x1] =	stream.indirect_vreg.gather [hbm4b:s3+s2], $0x80, v4, vm0, $0xb8;
	[tilespmem:$0xC080] =	vst v63  }
0x96: {  	_ = 	snop  }
0x97: {  	[tilespmem:s29], [sflag:$0x1] =	stream.indirect_vreg.gather [hbm4b:s4+s2], $0x80, v4, vm1, $0xb8;
	[tilespmem:$0xC080] =	vst v63  }
0x98: {  	_ = 	snop  }
0x99: {  	[tilespmem:s30], [sflag:$0x1] =	stream.indirect_vreg.gather [hbm4b:s3+s2], $0x80, v3, vm0, $0xb8;
	[tilespmem:$0xC080] =	vst v63  }
0x9a: {  	_ = 	snop  }
0x9b: {  	[tilespmem:s31], [sflag:$0x1] =	stream.indirect_vreg.gather [hbm4b:s4+s2], $0x80, v3, vm1, $0xb8;
	[tilespmem:$0xC080] =	vst v63  }
0x9c: {  	_ =	swait.ge [sflag:s1], $0xC000  }
0x9d: {  	p0 =	sne.s32 s5, $0x1;
	[sflag:s1] =	ssyncset.done $0x0  }
.Ltmp0:
0x9e: {  	s8 =	rddreg [dreg:$0x3];
	[sflag:s1] =	ssyncadd.s32 $0xFFFF4000;
	(pc) =	sbr.rel @p0 .LBB2_1-.Ltmp0, $4  }
0x9f: {  	[hbm4b:s8+s2] =	stream.linear.scatter [tilespmem:s7], [sflag:$0x2], $0xC000, $0x38;
	[tilespmem:$0xC080] =	vst v63  }
0xa0: {  	_ =	swait.ge [sflag:s6], $0xC000  }
0xa1: {  	[sflag:s6] =	ssyncset.done $0x0  }
0xa2: {  	s5 =	sadd.s32 $0xFFFFFFFF, s5;
	[sflag:s6] =	ssyncadd.s32 $0xFFFF4000  }
0xa3: {  	_ =	sfence.sel $0x180000  }
0xa4: {  	[bflag:$0x0] =	sbarrier.arrive $0xFFFF  }
0xa5: {  	_ =	strace $0x9000004A  }
0xa6: {  	s0 =	stileid.u32;
	[bflag:$0x2] =	sbarrier.arrive $0xFFFF  }
0xa7: {  	p0 =	sne.s32 s0, $0x0;
	s0 =	rddreg [dreg:$0x1]  }
0xa8: {  	s0 =	sadd.s32 @!p0 $0x100000, s0  }
0xa9: {  	[sflag:s0] =	ssyncadd.tile.s32 @!p0 $0x1;
	_ =	shalt  }
.Lfunc_end2:
_tile_overlayer_lowered:
.L_overlay_start_2:
0xaa: {  	(tag) =	ssettag $0x2  }
0xab: {  	s0 =	rddreg [dreg:$0x0];
	s2 =	stileid.u32  }
0xac: {  	s1 =	rddreg [dreg:$0x1];
	p0 =	sne.s32 s2, $0x0  }
0xad: {  	s3 =	rddreg [dreg:$0x2];
	[bflag:$0x3] =	sbarrier.arrive $0xFFFF;
	s2 =	simm.s32 @!p0 $0x1C02  }
0xae: {  	[timem:s3], [sflag:s2] =	dma.local @!p0 [hbm:s0], s1  }
0xaf: {  	s0 =	simm.s32 @!p0 $0x2  }
0xb0: {  	_ =	swait.ge @!p0 [sflag:s0], s1  }
0xb1: {  	s1 =	ssub.s32 @!p0 $0x0, s1;
	[sflag:s0] =	ssyncset.done @!p0 $0x0  }
0xb2: {  	[sflag:s0] =	ssyncadd.s32 @!p0 s1  }
0xb3: {  	[bflag:$0x3] =	sbarrier.arrive $0xFFFF  }
0xb4: {  	_ =	shalt  }

</sc_bundles>
